<compile_context>
chip_gen: v7x
topology: tpu7x:2x2x1
jax: 0.10.2.dev20260603
libtpu: 0.0.44.dev20260713+nightly
codegen_flags: <defaults>
</compile_context>

<pallas_src>
import functools

import jax
import jax.numpy as jnp
from jax import lax
from jax.experimental import pallas as pl
from jax.experimental.pallas import tpu as pltpu
from jax.experimental.pallas import tpu_sc as plsc

NC, NS, LANES = 2, 16, 16
NW = NC * NS
B, L, D = 4096, 200, 64
LP = 208
RPT = B // NW
DC = D // LANES
GROWS = 2
NBUF = 2
GIDX = GROWS * LP


def _sc_pooled_lookup(idx_p, mask_p, W):
    mesh = plsc.VectorSubcoreMesh(
        core_axis_name="c", subcore_axis_name="s",
        num_cores=NC, num_subcores=NS)

    @functools.partial(
        pl.kernel,
        out_type=jax.ShapeDtypeStruct((B, D), jnp.float32),
        mesh=mesh,
        scratch_types=[
            pltpu.VMEM((RPT * LP,), jnp.int32),
            pltpu.VMEM((RPT * LP,), jnp.int32),
            pltpu.VMEM((NBUF, GIDX, D), jnp.float32),
            pltpu.VMEM((RPT, D), jnp.float32),
            pltpu.SemaphoreType.DMA((NBUF,)),
        ],
        compiler_params=pltpu.CompilerParams(
            use_tc_tiling_on_sc=False, needs_layout_passes=False),
    )
    def k(idx_hbm, mask_hbm, w_hbm, out_hbm, idx_v, mask_v, bufs, out_v, sems):
        wid = lax.axis_index("s") * NC + lax.axis_index("c")
        base = wid * RPT
        pltpu.sync_copy(idx_hbm.at[pl.ds(base * LP, RPT * LP)], idx_v)
        pltpu.sync_copy(mask_hbm.at[pl.ds(base * LP, RPT * LP)], mask_v)

        @pl.loop(0, RPT * LP, step=LANES)
        def _(c):
            idx_v.at[pl.ds(c, LANES)][...] = (
                idx_v[pl.ds(c, LANES)] * mask_v[pl.ds(c, LANES)])

        def gather_copy(g, b):
            return pltpu.make_async_copy(
                w_hbm.at[idx_v.at[pl.ds(g * GIDX, GIDX)]],
                bufs.at[b], sems.at[b])

        for b in range(NBUF):
            gather_copy(b, b).start()

        @pl.loop(0, RPT // GROWS, step=NBUF)
        def _(g0):
            for b in range(NBUF):
                g = g0 + b
                gather_copy(g, b).wait()

                nxt = g + NBUF

                @pl.when(nxt < RPT // GROWS)
                def _():
                    gather_copy(nxt, b).start()

                for sub in range(GROWS):
                    r = g * GROWS + sub

                    def red_body(i, accs):
                        return tuple(
                            accs[c] + bufs[b, sub * LP + i,
                                           pl.ds(c * LANES, LANES)]
                            for c in range(DC))

                    accs = lax.fori_loop(
                        0, LP, red_body,
                        tuple(jnp.zeros((LANES,), jnp.float32)
                              for _ in range(DC)))

                    def cnt_body(j, acc):
                        return acc + mask_v[pl.ds(r * LP + j * LANES, LANES)]

                    cntv = lax.fori_loop(0, LP // LANES, cnt_body,
                                         jnp.zeros((LANES,), jnp.int32))
                    cnt = jnp.sum(cntv).astype(jnp.float32)
                    lenv = jnp.maximum(lax.broadcast(cnt, (LANES,)), 1e-9)
                    for c in range(DC):
                        out_v.at[r, pl.ds(c * LANES, LANES)][...] = (
                            accs[c] / lenv)

        pltpu.sync_copy(out_v, out_hbm.at[pl.ds(base, RPT)])

    return k(idx_p, mask_p, W)


def kernel(idx, mask_idx, W):
    idx_p = jnp.pad(idx, ((0, 0), (0, LP - L))).reshape(-1)
    mask_p = jnp.pad(mask_idx, ((0, 0), (0, LP - L))).reshape(-1)
    return _sc_pooled_lookup(idx_p, mask_p, W)

# --- scband reference (transcript-rebuilt; emitter-appended) ---
"""Pipeline reference for scband-text-backbone-30545807409447 (READ-ONLY COPY).

The authoritative reference and input builder live on the scoring server;
editing this copy changes nothing except your own understanding.
"""

import jax, jax.numpy as jnp
import numpy as np

VOCAB = 100000
EMBED_DIM = 64
BATCH = 4096
SEQ = 200

def setup_inputs(seed: int = 0) -> dict:
    key = jax.random.key(seed)
    k1, k2, k3 = jax.random.split(key, 3)
    idx = jax.random.randint(k1, (BATCH, SEQ), 0, VOCAB, dtype=jnp.int64 if jax.config.jax_enable_x64 else jnp.int32).astype(jnp.int32)
    mask_idx = jax.random.randint(k2, (BATCH, SEQ), 0, 2, dtype=jnp.int32)
    W = jax.random.normal(k3, (VOCAB, EMBED_DIM), dtype=jnp.float32)
    # padding_idx=0: embedding row 0 is zeros
    W = W.at[0].set(0.0)
    return {"idx": idx, "mask_idx": mask_idx, "W": W}

def reference(idx, mask_idx, W):
    # Embedding lookup (gather rows from table)
    embeds = jnp.take(W, idx, axis=0)            # [B, L, D]
    mask_expanded = mask_idx[..., None].astype(jnp.float32)  # [B, L, 1]
    embeds = embeds * mask_expanded
    sum_embeds = jnp.sum(embeds, axis=1)         # [B, D]
    lens = jnp.clip(jnp.sum(mask_idx.astype(jnp.float32), axis=1, keepdims=True), 1e-9, None)  # [B, 1]
    return sum_embeds / lens

if __name__ == "__main__":
    import jax
    _d = setup_inputs()
    print(jax.jit(kernel)(*tuple(_d.values())))

</pallas_src>

<mosaic_0001>
#map = affine_map<(d0, d1) -> (0)>
#map1 = affine_map<(d0, d1) -> (0, 0)>
module attributes {stable_mosaic.version = 14 : i64} {
  func.func @k(%arg0: i32, %arg1: i32, %arg2: memref<851968xi32, #tpu.memory_space<hbm>>, %arg3: memref<851968xi32, #tpu.memory_space<hbm>>, %arg4: memref<100000x64xf32, #tpu.memory_space<hbm>>, %arg5: memref<4096x64xf32, #tpu.memory_space<hbm>>, %arg6: memref<26624xi32, #tpu.memory_space<vmem>>, %arg7: memref<26624xi32, #tpu.memory_space<vmem>>, %arg8: memref<2x416x64xf32, #tpu.memory_space<vmem>>, %arg9: memref<128x64xf32, #tpu.memory_space<vmem>>, %arg10: memref<2x!tpu.dma_semaphore, #tpu.memory_space<semaphore_mem>>) attributes {dimension_semantics = [#tpu.dimension_semantics<core_parallel>, #tpu.dimension_semantics<subcore_parallel>], iteration_bounds = array<i64: 2, 16>, scalar_prefetch = 0 : i64, scratch_operands = 5 : i64, tpu.core_type = #tpu.core_type<sc_vector_subcore>, window_params = [{transform_indices = #map}, {transform_indices = #map}, {transform_indices = #map1}, {transform_indices = #map1}]} {
    %mul3A = arith.constant 2 : i32
    %mul3A_0 = arith.muli %arg1, %mul3A : i32
    %add3A = arith.addi %mul3A_0, %arg0 : i32
    %mul3A_1 = arith.constant 128 : i32
    %mul3A_2 = arith.muli %add3A, %mul3A_1 : i32
    %mul3A_3 = arith.constant 208 : i32
    %mul3A_4 = arith.muli %mul3A_2, %mul3A_3 : i32
    "tpu.region"() ({
      %run_scoped3A = tpu.sem_alloc : memref<!tpu.dma_semaphore, #tpu.memory_space<semaphore_mem>>
      %dma_start3A_41 = tpu.memref_slice %arg2[%mul3A_4] : memref<851968xi32, #tpu.memory_space<hbm>> -> memref<26624xi32, #tpu.memory_space<hbm>>
      %dma_start3A_42 = tpu.memref_slice %arg2[%mul3A_4] : memref<851968xi32, #tpu.memory_space<hbm>> -> memref<26624xi32, #tpu.memory_space<hbm>>
      tpu.enqueue_dma source(%dma_start3A_42 : memref<26624xi32, #tpu.memory_space<hbm>>) target(%arg6 : memref<26624xi32, #tpu.memory_space<vmem>>) target_semaphore(%run_scoped3A : memref<!tpu.dma_semaphore, #tpu.memory_space<semaphore_mem>>)
      %dma_wait3A = tpu.memref_slice %arg2[%mul3A_4] : memref<851968xi32, #tpu.memory_space<hbm>> -> memref<26624xi32, #tpu.memory_space<hbm>>
      %dma_wait3A_43 = tpu.memref_slice %arg2[%mul3A_4] : memref<851968xi32, #tpu.memory_space<hbm>> -> memref<26624xi32, #tpu.memory_space<hbm>>
      tpu.wait_dma2 semaphore(%run_scoped3A : memref<!tpu.dma_semaphore, #tpu.memory_space<semaphore_mem>>) src(%dma_wait3A_43 : memref<26624xi32, #tpu.memory_space<hbm>>) dst(%arg6 : memref<26624xi32, #tpu.memory_space<vmem>>)
      tpu.yield
    }) : () -> ()
    %mul3A_5 = arith.constant 208 : i32
    %mul3A_6 = arith.muli %mul3A_2, %mul3A_5 : i32
    "tpu.region"() ({
      %run_scoped3A = tpu.sem_alloc : memref<!tpu.dma_semaphore, #tpu.memory_space<semaphore_mem>>
      %dma_start3A_41 = tpu.memref_slice %arg3[%mul3A_6] : memref<851968xi32, #tpu.memory_space<hbm>> -> memref<26624xi32, #tpu.memory_space<hbm>>
      %dma_start3A_42 = tpu.memref_slice %arg3[%mul3A_6] : memref<851968xi32, #tpu.memory_space<hbm>> -> memref<26624xi32, #tpu.memory_space<hbm>>
      tpu.enqueue_dma source(%dma_start3A_42 : memref<26624xi32, #tpu.memory_space<hbm>>) target(%arg7 : memref<26624xi32, #tpu.memory_space<vmem>>) target_semaphore(%run_scoped3A : memref<!tpu.dma_semaphore, #tpu.memory_space<semaphore_mem>>)
      %dma_wait3A = tpu.memref_slice %arg3[%mul3A_6] : memref<851968xi32, #tpu.memory_space<hbm>> -> memref<26624xi32, #tpu.memory_space<hbm>>
      %dma_wait3A_43 = tpu.memref_slice %arg3[%mul3A_6] : memref<851968xi32, #tpu.memory_space<hbm>> -> memref<26624xi32, #tpu.memory_space<hbm>>
      tpu.wait_dma2 semaphore(%run_scoped3A : memref<!tpu.dma_semaphore, #tpu.memory_space<semaphore_mem>>) src(%dma_wait3A_43 : memref<26624xi32, #tpu.memory_space<hbm>>) dst(%arg7 : memref<26624xi32, #tpu.memory_space<vmem>>)
      tpu.yield
    }) : () -> ()
    %scan3A = arith.constant 0 : i32
    %scan3A_7 = arith.constant 1664 : i32
    %scan3A_8 = arith.addi %scan3A, %scan3A_7 : i32
    %scan3A_9 = arith.constant 1 : i32
    scf.for %scan3A_41 = %scan3A to %scan3A_8 step %scan3A_9  : i32 {
      %mul3A_42 = arith.constant 16 : i32
      %mul3A_43 = arith.muli %scan3A_41, %mul3A_42 : i32
      %add3A_44 = arith.constant 0 : i32
      %add3A_45 = arith.addi %add3A_44, %mul3A_43 : i32
      %get3A = arith.index_cast %add3A_45 : i32 to index
      %get3A_46 = tpu.vector_load %arg6[%get3A] {strides = array<i32>} : memref<26624xi32, #tpu.memory_space<vmem>>, vector<16xi32>,
      %get3A_47 = arith.index_cast %add3A_45 : i32 to index
      %get3A_48 = tpu.vector_load %arg7[%get3A_47] {strides = array<i32>} : memref<26624xi32, #tpu.memory_space<vmem>>, vector<16xi32>,
      %mul3A_49 = arith.muli %get3A_46, %get3A_48 : vector<16xi32>
      %swap3A = arith.index_cast %add3A_45 : i32 to index
      %swap3A_50 = tpu.vector_load %arg6[%swap3A] {strides = array<i32>} : memref<26624xi32, #tpu.memory_space<vmem>>, vector<16xi32>,
      tpu.vector_store %arg6[%swap3A], %mul3A_49 {strides = array<i32>} : memref<26624xi32, #tpu.memory_space<vmem>>, vector<16xi32>,
    }
    %scan3A_10 = arith.constant 1664 : i32
    %dma_start3A = arith.constant 0 : i32
    %dma_start3A_11 = arith.constant 0 : i32
    %dma_start3A_12 = arith.constant 0 : i32
    %dma_start3A_13 = arith.constant 0 : i32
    %dma_start3A_14 = tpu.memref_slice %arg8[%dma_start3A, %dma_start3A_12, %dma_start3A_13] : memref<2x416x64xf32, #tpu.memory_space<vmem>> -> memref<1x416x64xf32, #tpu.memory_space<vmem>>
    %dma_start3A_15 = tpu.memref_squeeze %dma_start3A_14 : memref<1x416x64xf32, #tpu.memory_space<vmem>> -> memref<416x64xf32, #tpu.memory_space<vmem>>
    %dma_start3A_16 = arith.constant 0 : i32
    %dma_start3A_17 = tpu.memref_slice %arg6[%dma_start3A_16] : memref<26624xi32, #tpu.memory_space<vmem>> -> memref<416xi32, #tpu.memory_space<vmem>>
    %dma_start3A_18 = arith.constant 0 : i32
    %dma_start3A_19 = arith.constant 0 : i32
    %dma_start3A_20 = tpu.memref_slice %arg4[%dma_start3A_18, %dma_start3A_19] : memref<100000x64xf32, #tpu.memory_space<hbm>> -> memref<100000x64xf32, #tpu.memory_space<hbm>>
    %dma_start3A_21 = tpu.memref_slice %arg10[%dma_start3A_11] : memref<2x!tpu.dma_semaphore, #tpu.memory_space<semaphore_mem>> -> memref<1x!tpu.dma_semaphore, #tpu.memory_space<semaphore_mem>>
    %dma_start3A_22 = tpu.memref_squeeze %dma_start3A_21 : memref<1x!tpu.dma_semaphore, #tpu.memory_space<semaphore_mem>> -> memref<!tpu.dma_semaphore, #tpu.memory_space<semaphore_mem>>
    tpu.enqueue_indirect_dma source(%dma_start3A_20 : memref<100000x64xf32, #tpu.memory_space<hbm>>) target(%dma_start3A_15 : memref<416x64xf32, #tpu.memory_space<vmem>>) offsets(%dma_start3A_17 : memref<416xi32, #tpu.memory_space<vmem>>) semaphore(%dma_start3A_22 : memref<!tpu.dma_semaphore, #tpu.memory_space<semaphore_mem>>)
    %dma_start3A_23 = arith.constant 1 : i32
    %dma_start3A_24 = arith.constant 1 : i32
    %dma_start3A_25 = arith.constant 0 : i32
    %dma_start3A_26 = arith.constant 0 : i32
    %dma_start3A_27 = tpu.memref_slice %arg8[%dma_start3A_23, %dma_start3A_25, %dma_start3A_26] : memref<2x416x64xf32, #tpu.memory_space<vmem>> -> memref<1x416x64xf32, #tpu.memory_space<vmem>>
    %dma_start3A_28 = tpu.memref_squeeze %dma_start3A_27 : memref<1x416x64xf32, #tpu.memory_space<vmem>> -> memref<416x64xf32, #tpu.memory_space<vmem>>
    %dma_start3A_29 = arith.constant 416 : i32
    %dma_start3A_30 = tpu.memref_slice %arg6[%dma_start3A_29] : memref<26624xi32, #tpu.memory_space<vmem>> -> memref<416xi32, #tpu.memory_space<vmem>>
    %dma_start3A_31 = arith.constant 0 : i32
    %dma_start3A_32 = arith.constant 0 : i32
    %dma_start3A_33 = tpu.memref_slice %arg4[%dma_start3A_31, %dma_start3A_32] : memref<100000x64xf32, #tpu.memory_space<hbm>> -> memref<100000x64xf32, #tpu.memory_space<hbm>>
    %dma_start3A_34 = tpu.memref_slice %arg10[%dma_start3A_24] : memref<2x!tpu.dma_semaphore, #tpu.memory_space<semaphore_mem>> -> memref<1x!tpu.dma_semaphore, #tpu.memory_space<semaphore_mem>>
    %dma_start3A_35 = tpu.memref_squeeze %dma_start3A_34 : memref<1x!tpu.dma_semaphore, #tpu.memory_space<semaphore_mem>> -> memref<!tpu.dma_semaphore, #tpu.memory_space<semaphore_mem>>
    tpu.enqueue_indirect_dma source(%dma_start3A_33 : memref<100000x64xf32, #tpu.memory_space<hbm>>) target(%dma_start3A_28 : memref<416x64xf32, #tpu.memory_space<vmem>>) offsets(%dma_start3A_30 : memref<416xi32, #tpu.memory_space<vmem>>) semaphore(%dma_start3A_35 : memref<!tpu.dma_semaphore, #tpu.memory_space<semaphore_mem>>)
    %scan3A_36 = arith.constant 0 : i32
    %scan3A_37 = arith.constant 32 : i32
    %scan3A_38 = arith.addi %scan3A_36, %scan3A_37 : i32
    %scan3A_39 = arith.constant 1 : i32
    scf.for %scan3A_41 = %scan3A_36 to %scan3A_38 step %scan3A_39  : i32 {
      %mul3A_42 = arith.constant 2 : i32
      %mul3A_43 = arith.muli %scan3A_41, %mul3A_42 : i32
      %add3A_44 = arith.constant 0 : i32
      %add3A_45 = arith.addi %add3A_44, %mul3A_43 : i32
      %add3A_46 = arith.constant 0 : i32
      %add3A_47 = arith.addi %add3A_45, %add3A_46 : i32
      %mul3A_48 = arith.constant 416 : i32
      %mul3A_49 = arith.muli %add3A_47, %mul3A_48 : i32
      %dma_wait3A = arith.constant 0 : i32
      %dma_wait3A_50 = arith.constant 0 : i32
      %dma_wait3A_51 = arith.constant 0 : i32
      %dma_wait3A_52 = arith.constant 0 : i32
      %dma_wait3A_53 = tpu.memref_slice %arg8[%dma_wait3A, %dma_wait3A_51, %dma_wait3A_52] : memref<2x416x64xf32, #tpu.memory_space<vmem>> -> memref<1x416x64xf32, #tpu.memory_space<vmem>>
      %dma_wait3A_54 = tpu.memref_squeeze %dma_wait3A_53 : memref<1x416x64xf32, #tpu.memory_space<vmem>> -> memref<416x64xf32, #tpu.memory_space<vmem>>
      %dma_wait3A_55 = tpu.memref_slice %arg6[%mul3A_49] : memref<26624xi32, #tpu.memory_space<vmem>> -> memref<416xi32, #tpu.memory_space<vmem>>
      %dma_wait3A_56 = arith.constant 0 : i32
      %dma_wait3A_57 = arith.constant 0 : i32
      %dma_wait3A_58 = tpu.memref_slice %arg4[%dma_wait3A_56, %dma_wait3A_57] : memref<100000x64xf32, #tpu.memory_space<hbm>> -> memref<100000x64xf32, #tpu.memory_space<hbm>>
      %dma_wait3A_59 = tpu.memref_slice %arg10[%dma_wait3A_50] : memref<2x!tpu.dma_semaphore, #tpu.memory_space<semaphore_mem>> -> memref<1x!tpu.dma_semaphore, #tpu.memory_space<semaphore_mem>>
      %dma_wait3A_60 = tpu.memref_squeeze %dma_wait3A_59 : memref<1x!tpu.dma_semaphore, #tpu.memory_space<semaphore_mem>> -> memref<!tpu.dma_semaphore, #tpu.memory_space<semaphore_mem>>
      tpu.wait_indirect_dma semaphore(%dma_wait3A_60 : memref<!tpu.dma_semaphore, #tpu.memory_space<semaphore_mem>>) src(%dma_wait3A_58 : memref<100000x64xf32, #tpu.memory_space<hbm>>) dst(%dma_wait3A_54 : memref<416x64xf32, #tpu.memory_space<vmem>>)
      %add3A_61 = arith.constant 2 : i32
      %add3A_62 = arith.addi %add3A_47, %add3A_61 : i32
      %lt3A = arith.constant 64 : i32
      %lt3A_63 = arith.cmpi slt, %add3A_62, %lt3A : i32
      %convert_element_type3A = arith.extui %lt3A_63 : i1 to i32
      %cond3A = arith.constant 0 : i32
      %cond3A_64 = arith.cmpi ne, %convert_element_type3A, %cond3A : i32
      scf.if %cond3A_64 {
        %mul3A_287 = arith.constant 416 : i32
        %mul3A_288 = arith.muli %add3A_62, %mul3A_287 : i32
        %dma_start3A_289 = arith.constant 0 : i32
        %dma_start3A_290 = arith.constant 0 : i32
        %dma_start3A_291 = arith.constant 0 : i32
        %dma_start3A_292 = arith.constant 0 : i32
        %dma_start3A_293 = tpu.memref_slice %arg8[%dma_start3A_289, %dma_start3A_291, %dma_start3A_292] : memref<2x416x64xf32, #tpu.memory_space<vmem>> -> memref<1x416x64xf32, #tpu.memory_space<vmem>>
        %dma_start3A_294 = tpu.memref_squeeze %dma_start3A_293 : memref<1x416x64xf32, #tpu.memory_space<vmem>> -> memref<416x64xf32, #tpu.memory_space<vmem>>
        %dma_start3A_295 = tpu.memref_slice %arg6[%mul3A_288] : memref<26624xi32, #tpu.memory_space<vmem>> -> memref<416xi32, #tpu.memory_space<vmem>>
        %dma_start3A_296 = arith.constant 0 : i32
        %dma_start3A_297 = arith.constant 0 : i32
        %dma_start3A_298 = tpu.memref_slice %arg4[%dma_start3A_296, %dma_start3A_297] : memref<100000x64xf32, #tpu.memory_space<hbm>> -> memref<100000x64xf32, #tpu.memory_space<hbm>>
        %dma_start3A_299 = tpu.memref_slice %arg10[%dma_start3A_290] : memref<2x!tpu.dma_semaphore, #tpu.memory_space<semaphore_mem>> -> memref<1x!tpu.dma_semaphore, #tpu.memory_space<semaphore_mem>>
        %dma_start3A_300 = tpu.memref_squeeze %dma_start3A_299 : memref<1x!tpu.dma_semaphore, #tpu.memory_space<semaphore_mem>> -> memref<!tpu.dma_semaphore, #tpu.memory_space<semaphore_mem>>
        tpu.enqueue_indirect_dma source(%dma_start3A_298 : memref<100000x64xf32, #tpu.memory_space<hbm>>) target(%dma_start3A_294 : memref<416x64xf32, #tpu.memory_space<vmem>>) offsets(%dma_start3A_295 : memref<416xi32, #tpu.memory_space<vmem>>) semaphore(%dma_start3A_300 : memref<!tpu.dma_semaphore, #tpu.memory_space<semaphore_mem>>)
      } else {
      }
      %mul3A_65 = arith.constant 2 : i32
      %mul3A_66 = arith.muli %add3A_47, %mul3A_65 : i32
      %add3A_67 = arith.constant 0 : i32
      %add3A_68 = arith.addi %mul3A_66, %add3A_67 : i32
      %broadcast_in_dim3A = arith.constant 0.000000e+00 : f32
      %broadcast_in_dim3A_69 = vector.broadcast %broadcast_in_dim3A : f32 to vector<16xf32>
      %broadcast_in_dim3A_70 = arith.constant 0.000000e+00 : f32
      %broadcast_in_dim3A_71 = vector.broadcast %broadcast_in_dim3A_70 : f32 to vector<16xf32>
      %broadcast_in_dim3A_72 = arith.constant 0.000000e+00 : f32
      %broadcast_in_dim3A_73 = vector.broadcast %broadcast_in_dim3A_72 : f32 to vector<16xf32>
      %broadcast_in_dim3A_74 = arith.constant 0.000000e+00 : f32
      %broadcast_in_dim3A_75 = vector.broadcast %broadcast_in_dim3A_74 : f32 to vector<16xf32>
      %scan3A_76 = arith.constant 0 : i32
      %scan3A_77 = arith.constant 208 : i32
      %scan3A_78 = arith.addi %scan3A_76, %scan3A_77 : i32
      %scan3A_79 = arith.constant 1 : i32
      %scan3A_80:4 = scf.for %scan3A_287 = %scan3A_76 to %scan3A_78 step %scan3A_79 iter_args(%scan3A_288 = %broadcast_in_dim3A_69, %scan3A_289 = %broadcast_in_dim3A_71, %scan3A_290 = %broadcast_in_dim3A_73, %scan3A_291 = %broadcast_in_dim3A_75) -> (vector<16xf32>, vector<16xf32>, vector<16xf32>, vector<16xf32>)  : i32 {
        %add3A_292 = arith.constant 0 : i32
        %add3A_293 = arith.addi %add3A_292, %scan3A_287 : i32
        %get3A = arith.constant 0 : i32
        %get3A_294 = arith.index_cast %get3A : i32 to index
        %get3A_295 = arith.index_cast %add3A_293 : i32 to index
        %get3A_296 = arith.constant 0 : index
        %get3A_297 = tpu.vector_load %arg8[%get3A_294, %get3A_295, %get3A_296] {strides = array<i32>} : memref<2x416x64xf32, #tpu.memory_space<vmem>>, vector<16xf32>,
        %add3A_298 = arith.addf %scan3A_288, %get3A_297 : vector<16xf32>
        %add3A_299 = arith.constant 0 : i32
        %add3A_300 = arith.addi %add3A_299, %scan3A_287 : i32
        %get3A_301 = arith.constant 0 : i32
        %get3A_302 = arith.index_cast %get3A_301 : i32 to index
        %get3A_303 = arith.index_cast %add3A_300 : i32 to index
        %get3A_304 = arith.constant 16 : index
        %get3A_305 = tpu.vector_load %arg8[%get3A_302, %get3A_303, %get3A_304] {strides = array<i32>} : memref<2x416x64xf32, #tpu.memory_space<vmem>>, vector<16xf32>,
        %add3A_306 = arith.addf %scan3A_289, %get3A_305 : vector<16xf32>
        %add3A_307 = arith.constant 0 : i32
        %add3A_308 = arith.addi %add3A_307, %scan3A_287 : i32
        %get3A_309 = arith.constant 0 : i32
        %get3A_310 = arith.index_cast %get3A_309 : i32 to index
        %get3A_311 = arith.index_cast %add3A_308 : i32 to index
        %get3A_312 = arith.constant 32 : index
        %get3A_313 = tpu.vector_load %arg8[%get3A_310, %get3A_311, %get3A_312] {strides = array<i32>} : memref<2x416x64xf32, #tpu.memory_space<vmem>>, vector<16xf32>,
        %add3A_314 = arith.addf %scan3A_290, %get3A_313 : vector<16xf32>
        %add3A_315 = arith.constant 0 : i32
        %add3A_316 = arith.addi %add3A_315, %scan3A_287 : i32
        %get3A_317 = arith.constant 0 : i32
        %get3A_318 = arith.index_cast %get3A_317 : i32 to index
        %get3A_319 = arith.index_cast %add3A_316 : i32 to index
        %get3A_320 = arith.constant 48 : index
        %get3A_321 = tpu.vector_load %arg8[%get3A_318, %get3A_319, %get3A_320] {strides = array<i32>} : memref<2x416x64xf32, #tpu.memory_space<vmem>>, vector<16xf32>,
        %add3A_322 = arith.addf %scan3A_291, %get3A_321 : vector<16xf32>
        scf.yield %add3A_298, %add3A_306, %add3A_314, %add3A_322 : vector<16xf32>, vector<16xf32>, vector<16xf32>, vector<16xf32>
      }
      %scan3A_81 = arith.constant 208 : i32
      %broadcast_in_dim3A_82 = arith.constant 0 : i32
      %broadcast_in_dim3A_83 = vector.broadcast %broadcast_in_dim3A_82 : i32 to vector<16xi32>
      %scan3A_84 = arith.constant 0 : i32
      %scan3A_85 = arith.constant 13 : i32
      %scan3A_86 = arith.addi %scan3A_84, %scan3A_85 : i32
      %scan3A_87 = arith.constant 1 : i32
      %scan3A_88 = scf.for %scan3A_287 = %scan3A_84 to %scan3A_86 step %scan3A_87 iter_args(%scan3A_288 = %broadcast_in_dim3A_83) -> (vector<16xi32>)  : i32 {
        %mul3A_289 = arith.constant 208 : i32
        %mul3A_290 = arith.muli %add3A_68, %mul3A_289 : i32
        %mul3A_291 = arith.constant 16 : i32
        %mul3A_292 = arith.muli %scan3A_287, %mul3A_291 : i32
        %add3A_293 = arith.addi %mul3A_290, %mul3A_292 : i32
        %get3A = arith.index_cast %add3A_293 : i32 to index
        %get3A_294 = tpu.vector_load %arg7[%get3A] {strides = array<i32>} : memref<26624xi32, #tpu.memory_space<vmem>>, vector<16xi32>,
        %add3A_295 = arith.addi %scan3A_288, %get3A_294 : vector<16xi32>
        scf.yield %add3A_295 : vector<16xi32>
      }
      %scan3A_89 = arith.constant 13 : i32
      %reduce_sum3A = arith.constant true
      %reduce_sum3A_90 = vector.broadcast %reduce_sum3A : i1 to vector<16xi1>
      %reduce_sum3A_91 = tpu.scan <sum>, %scan3A_88 masked %reduce_sum3A_90 : vector<16xi32>, vector<16xi1> -> vector<16xi32>
      %reduce_sum3A_92 = vector.extract %reduce_sum3A_91[15] : i32 from vector<16xi32>
      %convert_element_type3A_93 = arith.sitofp %reduce_sum3A_92 : i32 to f32
      %broadcast_in_dim3A_94 = vector.broadcast %convert_element_type3A_93 : f32 to vector<16xf32>
      %max3A = arith.constant 9.99999971E-10 : f32
      %max3A_95 = vector.broadcast %max3A : f32 to vector<16xf32>
      %max3A_96 = arith.maximumf %broadcast_in_dim3A_94, %max3A_95 : vector<16xf32>
      %div3A = arith.divf %scan3A_80#0, %max3A_96 : vector<16xf32>
      %swap3A = arith.index_cast %add3A_68 : i32 to index
      %swap3A_97 = arith.constant 0 : index
      %swap3A_98 = tpu.vector_load %arg9[%swap3A, %swap3A_97] {strides = array<i32>} : memref<128x64xf32, #tpu.memory_space<vmem>>, vector<16xf32>,
      tpu.vector_store %arg9[%swap3A, %swap3A_97], %div3A {strides = array<i32>} : memref<128x64xf32, #tpu.memory_space<vmem>>, vector<16xf32>,
      %div3A_99 = arith.divf %scan3A_80#1, %max3A_96 : vector<16xf32>
      %swap3A_100 = arith.index_cast %add3A_68 : i32 to index
      %swap3A_101 = arith.constant 16 : index
      %swap3A_102 = tpu.vector_load %arg9[%swap3A_100, %swap3A_101] {strides = array<i32>} : memref<128x64xf32, #tpu.memory_space<vmem>>, vector<16xf32>,
      tpu.vector_store %arg9[%swap3A_100, %swap3A_101], %div3A_99 {strides = array<i32>} : memref<128x64xf32, #tpu.memory_space<vmem>>, vector<16xf32>,
      %div3A_103 = arith.divf %scan3A_80#2, %max3A_96 : vector<16xf32>
      %swap3A_104 = arith.index_cast %add3A_68 : i32 to index
      %swap3A_105 = arith.constant 32 : index
      %swap3A_106 = tpu.vector_load %arg9[%swap3A_104, %swap3A_105] {strides = array<i32>} : memref<128x64xf32, #tpu.memory_space<vmem>>, vector<16xf32>,
      tpu.vector_store %arg9[%swap3A_104, %swap3A_105], %div3A_103 {strides = array<i32>} : memref<128x64xf32, #tpu.memory_space<vmem>>, vector<16xf32>,
      %div3A_107 = arith.divf %scan3A_80#3, %max3A_96 : vector<16xf32>
      %swap3A_108 = arith.index_cast %add3A_68 : i32 to index
      %swap3A_109 = arith.constant 48 : index
      %swap3A_110 = tpu.vector_load %arg9[%swap3A_108, %swap3A_109] {strides = array<i32>} : memref<128x64xf32, #tpu.memory_space<vmem>>, vector<16xf32>,
      tpu.vector_store %arg9[%swap3A_108, %swap3A_109], %div3A_107 {strides = array<i32>} : memref<128x64xf32, #tpu.memory_space<vmem>>, vector<16xf32>,
      %mul3A_111 = arith.constant 2 : i32
      %mul3A_112 = arith.muli %add3A_47, %mul3A_111 : i32
      %add3A_113 = arith.constant 1 : i32
      %add3A_114 = arith.addi %mul3A_112, %add3A_113 : i32
      %broadcast_in_dim3A_115 = arith.constant 0.000000e+00 : f32
      %broadcast_in_dim3A_116 = vector.broadcast %broadcast_in_dim3A_115 : f32 to vector<16xf32>
      %broadcast_in_dim3A_117 = arith.constant 0.000000e+00 : f32
      %broadcast_in_dim3A_118 = vector.broadcast %broadcast_in_dim3A_117 : f32 to vector<16xf32>
      %broadcast_in_dim3A_119 = arith.constant 0.000000e+00 : f32
      %broadcast_in_dim3A_120 = vector.broadcast %broadcast_in_dim3A_119 : f32 to vector<16xf32>
      %broadcast_in_dim3A_121 = arith.constant 0.000000e+00 : f32
      %broadcast_in_dim3A_122 = vector.broadcast %broadcast_in_dim3A_121 : f32 to vector<16xf32>
      %scan3A_123 = arith.constant 0 : i32
      %scan3A_124 = arith.constant 208 : i32
      %scan3A_125 = arith.addi %scan3A_123, %scan3A_124 : i32
      %scan3A_126 = arith.constant 1 : i32
      %scan3A_127:4 = scf.for %scan3A_287 = %scan3A_123 to %scan3A_125 step %scan3A_126 iter_args(%scan3A_288 = %broadcast_in_dim3A_116, %scan3A_289 = %broadcast_in_dim3A_118, %scan3A_290 = %broadcast_in_dim3A_120, %scan3A_291 = %broadcast_in_dim3A_122) -> (vector<16xf32>, vector<16xf32>, vector<16xf32>, vector<16xf32>)  : i32 {
        %add3A_292 = arith.constant 208 : i32
        %add3A_293 = arith.addi %add3A_292, %scan3A_287 : i32
        %get3A = arith.constant 0 : i32
        %get3A_294 = arith.index_cast %get3A : i32 to index
        %get3A_295 = arith.index_cast %add3A_293 : i32 to index
        %get3A_296 = arith.constant 0 : index
        %get3A_297 = tpu.vector_load %arg8[%get3A_294, %get3A_295, %get3A_296] {strides = array<i32>} : memref<2x416x64xf32, #tpu.memory_space<vmem>>, vector<16xf32>,
        %add3A_298 = arith.addf %scan3A_288, %get3A_297 : vector<16xf32>
        %add3A_299 = arith.constant 208 : i32
        %add3A_300 = arith.addi %add3A_299, %scan3A_287 : i32
        %get3A_301 = arith.constant 0 : i32
        %get3A_302 = arith.index_cast %get3A_301 : i32 to index
        %get3A_303 = arith.index_cast %add3A_300 : i32 to index
        %get3A_304 = arith.constant 16 : index
        %get3A_305 = tpu.vector_load %arg8[%get3A_302, %get3A_303, %get3A_304] {strides = array<i32>} : memref<2x416x64xf32, #tpu.memory_space<vmem>>, vector<16xf32>,
        %add3A_306 = arith.addf %scan3A_289, %get3A_305 : vector<16xf32>
        %add3A_307 = arith.constant 208 : i32
        %add3A_308 = arith.addi %add3A_307, %scan3A_287 : i32
        %get3A_309 = arith.constant 0 : i32
        %get3A_310 = arith.index_cast %get3A_309 : i32 to index
        %get3A_311 = arith.index_cast %add3A_308 : i32 to index
        %get3A_312 = arith.constant 32 : index
        %get3A_313 = tpu.vector_load %arg8[%get3A_310, %get3A_311, %get3A_312] {strides = array<i32>} : memref<2x416x64xf32, #tpu.memory_space<vmem>>, vector<16xf32>,
        %add3A_314 = arith.addf %scan3A_290, %get3A_313 : vector<16xf32>
        %add3A_315 = arith.constant 208 : i32
        %add3A_316 = arith.addi %add3A_315, %scan3A_287 : i32
        %get3A_317 = arith.constant 0 : i32
        %get3A_318 = arith.index_cast %get3A_317 : i32 to index
        %get3A_319 = arith.index_cast %add3A_316 : i32 to index
        %get3A_320 = arith.constant 48 : index
        %get3A_321 = tpu.vector_load %arg8[%get3A_318, %get3A_319, %get3A_320] {strides = array<i32>} : memref<2x416x64xf32, #tpu.memory_space<vmem>>, vector<16xf32>,
        %add3A_322 = arith.addf %scan3A_291, %get3A_321 : vector<16xf32>
        scf.yield %add3A_298, %add3A_306, %add3A_314, %add3A_322 : vector<16xf32>, vector<16xf32>, vector<16xf32>, vector<16xf32>
      }
      %scan3A_128 = arith.constant 208 : i32
      %broadcast_in_dim3A_129 = arith.constant 0 : i32
      %broadcast_in_dim3A_130 = vector.broadcast %broadcast_in_dim3A_129 : i32 to vector<16xi32>
      %scan3A_131 = arith.constant 0 : i32
      %scan3A_132 = arith.constant 13 : i32
      %scan3A_133 = arith.addi %scan3A_131, %scan3A_132 : i32
      %scan3A_134 = arith.constant 1 : i32
      %scan3A_135 = scf.for %scan3A_287 = %scan3A_131 to %scan3A_133 step %scan3A_134 iter_args(%scan3A_288 = %broadcast_in_dim3A_130) -> (vector<16xi32>)  : i32 {
        %mul3A_289 = arith.constant 208 : i32
        %mul3A_290 = arith.muli %add3A_114, %mul3A_289 : i32
        %mul3A_291 = arith.constant 16 : i32
        %mul3A_292 = arith.muli %scan3A_287, %mul3A_291 : i32
        %add3A_293 = arith.addi %mul3A_290, %mul3A_292 : i32
        %get3A = arith.index_cast %add3A_293 : i32 to index
        %get3A_294 = tpu.vector_load %arg7[%get3A] {strides = array<i32>} : memref<26624xi32, #tpu.memory_space<vmem>>, vector<16xi32>,
        %add3A_295 = arith.addi %scan3A_288, %get3A_294 : vector<16xi32>
        scf.yield %add3A_295 : vector<16xi32>
      }
      %scan3A_136 = arith.constant 13 : i32
      %reduce_sum3A_137 = arith.constant true
      %reduce_sum3A_138 = vector.broadcast %reduce_sum3A_137 : i1 to vector<16xi1>
      %reduce_sum3A_139 = tpu.scan <sum>, %scan3A_135 masked %reduce_sum3A_138 : vector<16xi32>, vector<16xi1> -> vector<16xi32>
      %reduce_sum3A_140 = vector.extract %reduce_sum3A_139[15] : i32 from vector<16xi32>
      %convert_element_type3A_141 = arith.sitofp %reduce_sum3A_140 : i32 to f32
      %broadcast_in_dim3A_142 = vector.broadcast %convert_element_type3A_141 : f32 to vector<16xf32>
      %max3A_143 = arith.constant 9.99999971E-10 : f32
      %max3A_144 = vector.broadcast %max3A_143 : f32 to vector<16xf32>
      %max3A_145 = arith.maximumf %broadcast_in_dim3A_142, %max3A_144 : vector<16xf32>
      %div3A_146 = arith.divf %scan3A_127#0, %max3A_145 : vector<16xf32>
      %swap3A_147 = arith.index_cast %add3A_114 : i32 to index
      %swap3A_148 = arith.constant 0 : index
      %swap3A_149 = tpu.vector_load %arg9[%swap3A_147, %swap3A_148] {strides = array<i32>} : memref<128x64xf32, #tpu.memory_space<vmem>>, vector<16xf32>,
      tpu.vector_store %arg9[%swap3A_147, %swap3A_148], %div3A_146 {strides = array<i32>} : memref<128x64xf32, #tpu.memory_space<vmem>>, vector<16xf32>,
      %div3A_150 = arith.divf %scan3A_127#1, %max3A_145 : vector<16xf32>
      %swap3A_151 = arith.index_cast %add3A_114 : i32 to index
      %swap3A_152 = arith.constant 16 : index
      %swap3A_153 = tpu.vector_load %arg9[%swap3A_151, %swap3A_152] {strides = array<i32>} : memref<128x64xf32, #tpu.memory_space<vmem>>, vector<16xf32>,
      tpu.vector_store %arg9[%swap3A_151, %swap3A_152], %div3A_150 {strides = array<i32>} : memref<128x64xf32, #tpu.memory_space<vmem>>, vector<16xf32>,
      %div3A_154 = arith.divf %scan3A_127#2, %max3A_145 : vector<16xf32>
      %swap3A_155 = arith.index_cast %add3A_114 : i32 to index
      %swap3A_156 = arith.constant 32 : index
      %swap3A_157 = tpu.vector_load %arg9[%swap3A_155, %swap3A_156] {strides = array<i32>} : memref<128x64xf32, #tpu.memory_space<vmem>>, vector<16xf32>,
      tpu.vector_store %arg9[%swap3A_155, %swap3A_156], %div3A_154 {strides = array<i32>} : memref<128x64xf32, #tpu.memory_space<vmem>>, vector<16xf32>,
      %div3A_158 = arith.divf %scan3A_127#3, %max3A_145 : vector<16xf32>
      %swap3A_159 = arith.index_cast %add3A_114 : i32 to index
      %swap3A_160 = arith.constant 48 : index
      %swap3A_161 = tpu.vector_load %arg9[%swap3A_159, %swap3A_160] {strides = array<i32>} : memref<128x64xf32, #tpu.memory_space<vmem>>, vector<16xf32>,
      tpu.vector_store %arg9[%swap3A_159, %swap3A_160], %div3A_158 {strides = array<i32>} : memref<128x64xf32, #tpu.memory_space<vmem>>, vector<16xf32>,
      %add3A_162 = arith.constant 1 : i32
      %add3A_163 = arith.addi %add3A_45, %add3A_162 : i32
      %mul3A_164 = arith.constant 416 : i32
      %mul3A_165 = arith.muli %add3A_163, %mul3A_164 : i32
      %dma_wait3A_166 = arith.constant 1 : i32
      %dma_wait3A_167 = arith.constant 1 : i32
      %dma_wait3A_168 = arith.constant 0 : i32
      %dma_wait3A_169 = arith.constant 0 : i32
      %dma_wait3A_170 = tpu.memref_slice %arg8[%dma_wait3A_166, %dma_wait3A_168, %dma_wait3A_169] : memref<2x416x64xf32, #tpu.memory_space<vmem>> -> memref<1x416x64xf32, #tpu.memory_space<vmem>>
      %dma_wait3A_171 = tpu.memref_squeeze %dma_wait3A_170 : memref<1x416x64xf32, #tpu.memory_space<vmem>> -> memref<416x64xf32, #tpu.memory_space<vmem>>
      %dma_wait3A_172 = tpu.memref_slice %arg6[%mul3A_165] : memref<26624xi32, #tpu.memory_space<vmem>> -> memref<416xi32, #tpu.memory_space<vmem>>
      %dma_wait3A_173 = arith.constant 0 : i32
      %dma_wait3A_174 = arith.constant 0 : i32
      %dma_wait3A_175 = tpu.memref_slice %arg4[%dma_wait3A_173, %dma_wait3A_174] : memref<100000x64xf32, #tpu.memory_space<hbm>> -> memref<100000x64xf32, #tpu.memory_space<hbm>>
      %dma_wait3A_176 = tpu.memref_slice %arg10[%dma_wait3A_167] : memref<2x!tpu.dma_semaphore, #tpu.memory_space<semaphore_mem>> -> memref<1x!tpu.dma_semaphore, #tpu.memory_space<semaphore_mem>>
      %dma_wait3A_177 = tpu.memref_squeeze %dma_wait3A_176 : memref<1x!tpu.dma_semaphore, #tpu.memory_space<semaphore_mem>> -> memref<!tpu.dma_semaphore, #tpu.memory_space<semaphore_mem>>
      tpu.wait_indirect_dma semaphore(%dma_wait3A_177 : memref<!tpu.dma_semaphore, #tpu.memory_space<semaphore_mem>>) src(%dma_wait3A_175 : memref<100000x64xf32, #tpu.memory_space<hbm>>) dst(%dma_wait3A_171 : memref<416x64xf32, #tpu.memory_space<vmem>>)
      %add3A_178 = arith.constant 2 : i32
      %add3A_179 = arith.addi %add3A_163, %add3A_178 : i32
      %lt3A_180 = arith.constant 64 : i32
      %lt3A_181 = arith.cmpi slt, %add3A_179, %lt3A_180 : i32
      %convert_element_type3A_182 = arith.extui %lt3A_181 : i1 to i32
      %cond3A_183 = arith.constant 0 : i32
      %cond3A_184 = arith.cmpi ne, %convert_element_type3A_182, %cond3A_183 : i32
      scf.if %cond3A_184 {
        %mul3A_287 = arith.constant 416 : i32
        %mul3A_288 = arith.muli %add3A_179, %mul3A_287 : i32
        %dma_start3A_289 = arith.constant 1 : i32
        %dma_start3A_290 = arith.constant 1 : i32
        %dma_start3A_291 = arith.constant 0 : i32
        %dma_start3A_292 = arith.constant 0 : i32
        %dma_start3A_293 = tpu.memref_slice %arg8[%dma_start3A_289, %dma_start3A_291, %dma_start3A_292] : memref<2x416x64xf32, #tpu.memory_space<vmem>> -> memref<1x416x64xf32, #tpu.memory_space<vmem>>
        %dma_start3A_294 = tpu.memref_squeeze %dma_start3A_293 : memref<1x416x64xf32, #tpu.memory_space<vmem>> -> memref<416x64xf32, #tpu.memory_space<vmem>>
        %dma_start3A_295 = tpu.memref_slice %arg6[%mul3A_288] : memref<26624xi32, #tpu.memory_space<vmem>> -> memref<416xi32, #tpu.memory_space<vmem>>
        %dma_start3A_296 = arith.constant 0 : i32
        %dma_start3A_297 = arith.constant 0 : i32
        %dma_start3A_298 = tpu.memref_slice %arg4[%dma_start3A_296, %dma_start3A_297] : memref<100000x64xf32, #tpu.memory_space<hbm>> -> memref<100000x64xf32, #tpu.memory_space<hbm>>
        %dma_start3A_299 = tpu.memref_slice %arg10[%dma_start3A_290] : memref<2x!tpu.dma_semaphore, #tpu.memory_space<semaphore_mem>> -> memref<1x!tpu.dma_semaphore, #tpu.memory_space<semaphore_mem>>
        %dma_start3A_300 = tpu.memref_squeeze %dma_start3A_299 : memref<1x!tpu.dma_semaphore, #tpu.memory_space<semaphore_mem>> -> memref<!tpu.dma_semaphore, #tpu.memory_space<semaphore_mem>>
        tpu.enqueue_indirect_dma source(%dma_start3A_298 : memref<100000x64xf32, #tpu.memory_space<hbm>>) target(%dma_start3A_294 : memref<416x64xf32, #tpu.memory_space<vmem>>) offsets(%dma_start3A_295 : memref<416xi32, #tpu.memory_space<vmem>>) semaphore(%dma_start3A_300 : memref<!tpu.dma_semaphore, #tpu.memory_space<semaphore_mem>>)
      } else {
      }
      %mul3A_185 = arith.constant 2 : i32
      %mul3A_186 = arith.muli %add3A_163, %mul3A_185 : i32
      %add3A_187 = arith.constant 0 : i32
      %add3A_188 = arith.addi %mul3A_186, %add3A_187 : i32
      %broadcast_in_dim3A_189 = arith.constant 0.000000e+00 : f32
      %broadcast_in_dim3A_190 = vector.broadcast %broadcast_in_dim3A_189 : f32 to vector<16xf32>
      %broadcast_in_dim3A_191 = arith.constant 0.000000e+00 : f32
      %broadcast_in_dim3A_192 = vector.broadcast %broadcast_in_dim3A_191 : f32 to vector<16xf32>
      %broadcast_in_dim3A_193 = arith.constant 0.000000e+00 : f32
      %broadcast_in_dim3A_194 = vector.broadcast %broadcast_in_dim3A_193 : f32 to vector<16xf32>
      %broadcast_in_dim3A_195 = arith.constant 0.000000e+00 : f32
      %broadcast_in_dim3A_196 = vector.broadcast %broadcast_in_dim3A_195 : f32 to vector<16xf32>
      %scan3A_197 = arith.constant 0 : i32
      %scan3A_198 = arith.constant 208 : i32
      %scan3A_199 = arith.addi %scan3A_197, %scan3A_198 : i32
      %scan3A_200 = arith.constant 1 : i32
      %scan3A_201:4 = scf.for %scan3A_287 = %scan3A_197 to %scan3A_199 step %scan3A_200 iter_args(%scan3A_288 = %broadcast_in_dim3A_190, %scan3A_289 = %broadcast_in_dim3A_192, %scan3A_290 = %broadcast_in_dim3A_194, %scan3A_291 = %broadcast_in_dim3A_196) -> (vector<16xf32>, vector<16xf32>, vector<16xf32>, vector<16xf32>)  : i32 {
        %add3A_292 = arith.constant 0 : i32
        %add3A_293 = arith.addi %add3A_292, %scan3A_287 : i32
        %get3A = arith.constant 1 : i32
        %get3A_294 = arith.index_cast %get3A : i32 to index
        %get3A_295 = arith.index_cast %add3A_293 : i32 to index
        %get3A_296 = arith.constant 0 : index
        %get3A_297 = tpu.vector_load %arg8[%get3A_294, %get3A_295, %get3A_296] {strides = array<i32>} : memref<2x416x64xf32, #tpu.memory_space<vmem>>, vector<16xf32>,
        %add3A_298 = arith.addf %scan3A_288, %get3A_297 : vector<16xf32>
        %add3A_299 = arith.constant 0 : i32
        %add3A_300 = arith.addi %add3A_299, %scan3A_287 : i32
        %get3A_301 = arith.constant 1 : i32
        %get3A_302 = arith.index_cast %get3A_301 : i32 to index
        %get3A_303 = arith.index_cast %add3A_300 : i32 to index
        %get3A_304 = arith.constant 16 : index
        %get3A_305 = tpu.vector_load %arg8[%get3A_302, %get3A_303, %get3A_304] {strides = array<i32>} : memref<2x416x64xf32, #tpu.memory_space<vmem>>, vector<16xf32>,
        %add3A_306 = arith.addf %scan3A_289, %get3A_305 : vector<16xf32>
        %add3A_307 = arith.constant 0 : i32
        %add3A_308 = arith.addi %add3A_307, %scan3A_287 : i32
        %get3A_309 = arith.constant 1 : i32
        %get3A_310 = arith.index_cast %get3A_309 : i32 to index
        %get3A_311 = arith.index_cast %add3A_308 : i32 to index
        %get3A_312 = arith.constant 32 : index
        %get3A_313 = tpu.vector_load %arg8[%get3A_310, %get3A_311, %get3A_312] {strides = array<i32>} : memref<2x416x64xf32, #tpu.memory_space<vmem>>, vector<16xf32>,
        %add3A_314 = arith.addf %scan3A_290, %get3A_313 : vector<16xf32>
        %add3A_315 = arith.constant 0 : i32
        %add3A_316 = arith.addi %add3A_315, %scan3A_287 : i32
        %get3A_317 = arith.constant 1 : i32
        %get3A_318 = arith.index_cast %get3A_317 : i32 to index
        %get3A_319 = arith.index_cast %add3A_316 : i32 to index
        %get3A_320 = arith.constant 48 : index
        %get3A_321 = tpu.vector_load %arg8[%get3A_318, %get3A_319, %get3A_320] {strides = array<i32>} : memref<2x416x64xf32, #tpu.memory_space<vmem>>, vector<16xf32>,
        %add3A_322 = arith.addf %scan3A_291, %get3A_321 : vector<16xf32>
        scf.yield %add3A_298, %add3A_306, %add3A_314, %add3A_322 : vector<16xf32>, vector<16xf32>, vector<16xf32>, vector<16xf32>
      }
      %scan3A_202 = arith.constant 208 : i32
      %broadcast_in_dim3A_203 = arith.constant 0 : i32
      %broadcast_in_dim3A_204 = vector.broadcast %broadcast_in_dim3A_203 : i32 to vector<16xi32>
      %scan3A_205 = arith.constant 0 : i32
      %scan3A_206 = arith.constant 13 : i32
      %scan3A_207 = arith.addi %scan3A_205, %scan3A_206 : i32
      %scan3A_208 = arith.constant 1 : i32
      %scan3A_209 = scf.for %scan3A_287 = %scan3A_205 to %scan3A_207 step %scan3A_208 iter_args(%scan3A_288 = %broadcast_in_dim3A_204) -> (vector<16xi32>)  : i32 {
        %mul3A_289 = arith.constant 208 : i32
        %mul3A_290 = arith.muli %add3A_188, %mul3A_289 : i32
        %mul3A_291 = arith.constant 16 : i32
        %mul3A_292 = arith.muli %scan3A_287, %mul3A_291 : i32
        %add3A_293 = arith.addi %mul3A_290, %mul3A_292 : i32
        %get3A = arith.index_cast %add3A_293 : i32 to index
        %get3A_294 = tpu.vector_load %arg7[%get3A] {strides = array<i32>} : memref<26624xi32, #tpu.memory_space<vmem>>, vector<16xi32>,
        %add3A_295 = arith.addi %scan3A_288, %get3A_294 : vector<16xi32>
        scf.yield %add3A_295 : vector<16xi32>
      }
      %scan3A_210 = arith.constant 13 : i32
      %reduce_sum3A_211 = arith.constant true
      %reduce_sum3A_212 = vector.broadcast %reduce_sum3A_211 : i1 to vector<16xi1>
      %reduce_sum3A_213 = tpu.scan <sum>, %scan3A_209 masked %reduce_sum3A_212 : vector<16xi32>, vector<16xi1> -> vector<16xi32>
      %reduce_sum3A_214 = vector.extract %reduce_sum3A_213[15] : i32 from vector<16xi32>
      %convert_element_type3A_215 = arith.sitofp %reduce_sum3A_214 : i32 to f32
      %broadcast_in_dim3A_216 = vector.broadcast %convert_element_type3A_215 : f32 to vector<16xf32>
      %max3A_217 = arith.constant 9.99999971E-10 : f32
      %max3A_218 = vector.broadcast %max3A_217 : f32 to vector<16xf32>
      %max3A_219 = arith.maximumf %broadcast_in_dim3A_216, %max3A_218 : vector<16xf32>
      %div3A_220 = arith.divf %scan3A_201#0, %max3A_219 : vector<16xf32>
      %swap3A_221 = arith.index_cast %add3A_188 : i32 to index
      %swap3A_222 = arith.constant 0 : index
      %swap3A_223 = tpu.vector_load %arg9[%swap3A_221, %swap3A_222] {strides = array<i32>} : memref<128x64xf32, #tpu.memory_space<vmem>>, vector<16xf32>,
      tpu.vector_store %arg9[%swap3A_221, %swap3A_222], %div3A_220 {strides = array<i32>} : memref<128x64xf32, #tpu.memory_space<vmem>>, vector<16xf32>,
      %div3A_224 = arith.divf %scan3A_201#1, %max3A_219 : vector<16xf32>
      %swap3A_225 = arith.index_cast %add3A_188 : i32 to index
      %swap3A_226 = arith.constant 16 : index
      %swap3A_227 = tpu.vector_load %arg9[%swap3A_225, %swap3A_226] {strides = array<i32>} : memref<128x64xf32, #tpu.memory_space<vmem>>, vector<16xf32>,
      tpu.vector_store %arg9[%swap3A_225, %swap3A_226], %div3A_224 {strides = array<i32>} : memref<128x64xf32, #tpu.memory_space<vmem>>, vector<16xf32>,
      %div3A_228 = arith.divf %scan3A_201#2, %max3A_219 : vector<16xf32>
      %swap3A_229 = arith.index_cast %add3A_188 : i32 to index
      %swap3A_230 = arith.constant 32 : index
      %swap3A_231 = tpu.vector_load %arg9[%swap3A_229, %swap3A_230] {strides = array<i32>} : memref<128x64xf32, #tpu.memory_space<vmem>>, vector<16xf32>,
      tpu.vector_store %arg9[%swap3A_229, %swap3A_230], %div3A_228 {strides = array<i32>} : memref<128x64xf32, #tpu.memory_space<vmem>>, vector<16xf32>,
      %div3A_232 = arith.divf %scan3A_201#3, %max3A_219 : vector<16xf32>
      %swap3A_233 = arith.index_cast %add3A_188 : i32 to index
      %swap3A_234 = arith.constant 48 : index
      %swap3A_235 = tpu.vector_load %arg9[%swap3A_233, %swap3A_234] {strides = array<i32>} : memref<128x64xf32, #tpu.memory_space<vmem>>, vector<16xf32>,
      tpu.vector_store %arg9[%swap3A_233, %swap3A_234], %div3A_232 {strides = array<i32>} : memref<128x64xf32, #tpu.memory_space<vmem>>, vector<16xf32>,
      %mul3A_236 = arith.constant 2 : i32
      %mul3A_237 = arith.muli %add3A_163, %mul3A_236 : i32
      %add3A_238 = arith.constant 1 : i32
      %add3A_239 = arith.addi %mul3A_237, %add3A_238 : i32
      %broadcast_in_dim3A_240 = arith.constant 0.000000e+00 : f32
      %broadcast_in_dim3A_241 = vector.broadcast %broadcast_in_dim3A_240 : f32 to vector<16xf32>
      %broadcast_in_dim3A_242 = arith.constant 0.000000e+00 : f32
      %broadcast_in_dim3A_243 = vector.broadcast %broadcast_in_dim3A_242 : f32 to vector<16xf32>
      %broadcast_in_dim3A_244 = arith.constant 0.000000e+00 : f32
      %broadcast_in_dim3A_245 = vector.broadcast %broadcast_in_dim3A_244 : f32 to vector<16xf32>
      %broadcast_in_dim3A_246 = arith.constant 0.000000e+00 : f32
      %broadcast_in_dim3A_247 = vector.broadcast %broadcast_in_dim3A_246 : f32 to vector<16xf32>
      %scan3A_248 = arith.constant 0 : i32
      %scan3A_249 = arith.constant 208 : i32
      %scan3A_250 = arith.addi %scan3A_248, %scan3A_249 : i32
      %scan3A_251 = arith.constant 1 : i32
      %scan3A_252:4 = scf.for %scan3A_287 = %scan3A_248 to %scan3A_250 step %scan3A_251 iter_args(%scan3A_288 = %broadcast_in_dim3A_241, %scan3A_289 = %broadcast_in_dim3A_243, %scan3A_290 = %broadcast_in_dim3A_245, %scan3A_291 = %broadcast_in_dim3A_247) -> (vector<16xf32>, vector<16xf32>, vector<16xf32>, vector<16xf32>)  : i32 {
        %add3A_292 = arith.constant 208 : i32
        %add3A_293 = arith.addi %add3A_292, %scan3A_287 : i32
        %get3A = arith.constant 1 : i32
        %get3A_294 = arith.index_cast %get3A : i32 to index
        %get3A_295 = arith.index_cast %add3A_293 : i32 to index
        %get3A_296 = arith.constant 0 : index
        %get3A_297 = tpu.vector_load %arg8[%get3A_294, %get3A_295, %get3A_296] {strides = array<i32>} : memref<2x416x64xf32, #tpu.memory_space<vmem>>, vector<16xf32>,
        %add3A_298 = arith.addf %scan3A_288, %get3A_297 : vector<16xf32>
        %add3A_299 = arith.constant 208 : i32
        %add3A_300 = arith.addi %add3A_299, %scan3A_287 : i32
        %get3A_301 = arith.constant 1 : i32
        %get3A_302 = arith.index_cast %get3A_301 : i32 to index
        %get3A_303 = arith.index_cast %add3A_300 : i32 to index
        %get3A_304 = arith.constant 16 : index
        %get3A_305 = tpu.vector_load %arg8[%get3A_302, %get3A_303, %get3A_304] {strides = array<i32>} : memref<2x416x64xf32, #tpu.memory_space<vmem>>, vector<16xf32>,
        %add3A_306 = arith.addf %scan3A_289, %get3A_305 : vector<16xf32>
        %add3A_307 = arith.constant 208 : i32
        %add3A_308 = arith.addi %add3A_307, %scan3A_287 : i32
        %get3A_309 = arith.constant 1 : i32
        %get3A_310 = arith.index_cast %get3A_309 : i32 to index
        %get3A_311 = arith.index_cast %add3A_308 : i32 to index
        %get3A_312 = arith.constant 32 : index
        %get3A_313 = tpu.vector_load %arg8[%get3A_310, %get3A_311, %get3A_312] {strides = array<i32>} : memref<2x416x64xf32, #tpu.memory_space<vmem>>, vector<16xf32>,
        %add3A_314 = arith.addf %scan3A_290, %get3A_313 : vector<16xf32>
        %add3A_315 = arith.constant 208 : i32
        %add3A_316 = arith.addi %add3A_315, %scan3A_287 : i32
        %get3A_317 = arith.constant 1 : i32
        %get3A_318 = arith.index_cast %get3A_317 : i32 to index
        %get3A_319 = arith.index_cast %add3A_316 : i32 to index
        %get3A_320 = arith.constant 48 : index
        %get3A_321 = tpu.vector_load %arg8[%get3A_318, %get3A_319, %get3A_320] {strides = array<i32>} : memref<2x416x64xf32, #tpu.memory_space<vmem>>, vector<16xf32>,
        %add3A_322 = arith.addf %scan3A_291, %get3A_321 : vector<16xf32>
        scf.yield %add3A_298, %add3A_306, %add3A_314, %add3A_322 : vector<16xf32>, vector<16xf32>, vector<16xf32>, vector<16xf32>
      }
      %scan3A_253 = arith.constant 208 : i32
      %broadcast_in_dim3A_254 = arith.constant 0 : i32
      %broadcast_in_dim3A_255 = vector.broadcast %broadcast_in_dim3A_254 : i32 to vector<16xi32>
      %scan3A_256 = arith.constant 0 : i32
      %scan3A_257 = arith.constant 13 : i32
      %scan3A_258 = arith.addi %scan3A_256, %scan3A_257 : i32
      %scan3A_259 = arith.constant 1 : i32
      %scan3A_260 = scf.for %scan3A_287 = %scan3A_256 to %scan3A_258 step %scan3A_259 iter_args(%scan3A_288 = %broadcast_in_dim3A_255) -> (vector<16xi32>)  : i32 {
        %mul3A_289 = arith.constant 208 : i32
        %mul3A_290 = arith.muli %add3A_239, %mul3A_289 : i32
        %mul3A_291 = arith.constant 16 : i32
        %mul3A_292 = arith.muli %scan3A_287, %mul3A_291 : i32
        %add3A_293 = arith.addi %mul3A_290, %mul3A_292 : i32
        %get3A = arith.index_cast %add3A_293 : i32 to index
        %get3A_294 = tpu.vector_load %arg7[%get3A] {strides = array<i32>} : memref<26624xi32, #tpu.memory_space<vmem>>, vector<16xi32>,
        %add3A_295 = arith.addi %scan3A_288, %get3A_294 : vector<16xi32>
        scf.yield %add3A_295 : vector<16xi32>
      }
      %scan3A_261 = arith.constant 13 : i32
      %reduce_sum3A_262 = arith.constant true
      %reduce_sum3A_263 = vector.broadcast %reduce_sum3A_262 : i1 to vector<16xi1>
      %reduce_sum3A_264 = tpu.scan <sum>, %scan3A_260 masked %reduce_sum3A_263 : vector<16xi32>, vector<16xi1> -> vector<16xi32>
      %reduce_sum3A_265 = vector.extract %reduce_sum3A_264[15] : i32 from vector<16xi32>
      %convert_element_type3A_266 = arith.sitofp %reduce_sum3A_265 : i32 to f32
      %broadcast_in_dim3A_267 = vector.broadcast %convert_element_type3A_266 : f32 to vector<16xf32>
      %max3A_268 = arith.constant 9.99999971E-10 : f32
      %max3A_269 = vector.broadcast %max3A_268 : f32 to vector<16xf32>
      %max3A_270 = arith.maximumf %broadcast_in_dim3A_267, %max3A_269 : vector<16xf32>
      %div3A_271 = arith.divf %scan3A_252#0, %max3A_270 : vector<16xf32>
      %swap3A_272 = arith.index_cast %add3A_239 : i32 to index
      %swap3A_273 = arith.constant 0 : index
      %swap3A_274 = tpu.vector_load %arg9[%swap3A_272, %swap3A_273] {strides = array<i32>} : memref<128x64xf32, #tpu.memory_space<vmem>>, vector<16xf32>,
      tpu.vector_store %arg9[%swap3A_272, %swap3A_273], %div3A_271 {strides = array<i32>} : memref<128x64xf32, #tpu.memory_space<vmem>>, vector<16xf32>,
      %div3A_275 = arith.divf %scan3A_252#1, %max3A_270 : vector<16xf32>
      %swap3A_276 = arith.index_cast %add3A_239 : i32 to index
      %swap3A_277 = arith.constant 16 : index
      %swap3A_278 = tpu.vector_load %arg9[%swap3A_276, %swap3A_277] {strides = array<i32>} : memref<128x64xf32, #tpu.memory_space<vmem>>, vector<16xf32>,
      tpu.vector_store %arg9[%swap3A_276, %swap3A_277], %div3A_275 {strides = array<i32>} : memref<128x64xf32, #tpu.memory_space<vmem>>, vector<16xf32>,
      %div3A_279 = arith.divf %scan3A_252#2, %max3A_270 : vector<16xf32>
      %swap3A_280 = arith.index_cast %add3A_239 : i32 to index
      %swap3A_281 = arith.constant 32 : index
      %swap3A_282 = tpu.vector_load %arg9[%swap3A_280, %swap3A_281] {strides = array<i32>} : memref<128x64xf32, #tpu.memory_space<vmem>>, vector<16xf32>,
      tpu.vector_store %arg9[%swap3A_280, %swap3A_281], %div3A_279 {strides = array<i32>} : memref<128x64xf32, #tpu.memory_space<vmem>>, vector<16xf32>,
      %div3A_283 = arith.divf %scan3A_252#3, %max3A_270 : vector<16xf32>
      %swap3A_284 = arith.index_cast %add3A_239 : i32 to index
      %swap3A_285 = arith.constant 48 : index
      %swap3A_286 = tpu.vector_load %arg9[%swap3A_284, %swap3A_285] {strides = array<i32>} : memref<128x64xf32, #tpu.memory_space<vmem>>, vector<16xf32>,
      tpu.vector_store %arg9[%swap3A_284, %swap3A_285], %div3A_283 {strides = array<i32>} : memref<128x64xf32, #tpu.memory_space<vmem>>, vector<16xf32>,
    }
    %scan3A_40 = arith.constant 32 : i32
    "tpu.region"() ({
      %run_scoped3A = tpu.sem_alloc : memref<!tpu.dma_semaphore, #tpu.memory_space<semaphore_mem>>
      %dma_start3A_41 = arith.constant 0 : i32
      %dma_start3A_42 = tpu.memref_slice %arg5[%mul3A_2, %dma_start3A_41] : memref<4096x64xf32, #tpu.memory_space<hbm>> -> memref<128x64xf32, #tpu.memory_space<hbm>>
      %dma_start3A_43 = arith.constant 0 : i32
      %dma_start3A_44 = tpu.memref_slice %arg5[%mul3A_2, %dma_start3A_43] : memref<4096x64xf32, #tpu.memory_space<hbm>> -> memref<128x64xf32, #tpu.memory_space<hbm>>
      tpu.enqueue_dma source(%arg9 : memref<128x64xf32, #tpu.memory_space<vmem>>) target(%dma_start3A_44 : memref<128x64xf32, #tpu.memory_space<hbm>>) target_semaphore(%run_scoped3A : memref<!tpu.dma_semaphore, #tpu.memory_space<semaphore_mem>>)
      %dma_wait3A = arith.constant 0 : i32
      %dma_wait3A_45 = tpu.memref_slice %arg5[%mul3A_2, %dma_wait3A] : memref<4096x64xf32, #tpu.memory_space<hbm>> -> memref<128x64xf32, #tpu.memory_space<hbm>>
      %dma_wait3A_46 = arith.constant 0 : i32
      %dma_wait3A_47 = tpu.memref_slice %arg5[%mul3A_2, %dma_wait3A_46] : memref<4096x64xf32, #tpu.memory_space<hbm>> -> memref<128x64xf32, #tpu.memory_space<hbm>>
      tpu.wait_dma2 semaphore(%run_scoped3A : memref<!tpu.dma_semaphore, #tpu.memory_space<semaphore_mem>>) src(%arg9 : memref<128x64xf32, #tpu.memory_space<vmem>>) dst(%dma_wait3A_47 : memref<128x64xf32, #tpu.memory_space<hbm>>)
      tpu.yield
    }) : () -> ()
    return
  }
}

</mosaic_0001>

<sc_bundles>
// kernel: kernel.3.cloned.1.call-start
scs
__scs_entry_jumppad:
0x0: {  	(pc) =	sbr.rel $0x88, $3  }
0x1: {  	(tag) =	ssettag $0x0;
	lr =	simm.s32 $0x1  }
0x2: {  	[smem:$0x3F9E] =	sst lr;
	_ =	strace $0xD0000000  }
0x3: {  	_ = 	snop  }
0x4: {  	_ = 	snop  }
0x5: {  	_ = 	snop  }
0x6: {  	_ = 	snop  }
0x7: {  	_ = 	snop  }
__scs_overlays_trampoline_lowered:
0x8: {  	[smem:$0x3FAD] =	sst s0  }
0x9: {  	[smem:$0x3FAE] =	sst s1  }
0xa: {  	[smem:$0x3FAF] =	sst s2  }
0xb: {  	[smem:$0x3FB0] =	sst s3  }
0xc: {  	[smem:$0x3FB1] =	sst s4  }
0xd: {  	[smem:$0x3FB2] =	sst s5  }
0xe: {  	[smem:$0x3FB3] =	sst s6  }
0xf: {  	[smem:$0x3FB4] =	sst s7  }
0x10: {  	[smem:$0x3FB5] =	sst s8  }
0x11: {  	[smem:$0x3FB6] =	sst s9;
	s0 =	simm.s32 @!p0 $0x0  }
0x12: {  	s1 =	sld [smem:$0x3F9C];
	s0 =	simm.s32 @p0 $0x1  }
0x13: {  	[smem:$0x3FB7] =	sst s0;
	s0 =	simm.s32 @!p1 $0x0  }
0x14: {  	s2 =	sld [smem:$0x3F9B];
	s0 =	simm.s32 @p1 $0x1  }
0x15: {  	[smem:$0x3FB8] =	sst s0;
	s0 =	simm.s32 @!p2 $0x0  }
0x16: {  	s3 =	sld [smem:$0x3FDB];
	s0 =	simm.s32 @p2 $0x1  }
0x17: {  	s4 =	simm.s32 $0x1BF5;
	[smem:$0x3FBA] =	sst s0  }
0x18: {  	s0 =	sld [smem:$0x3F9D];
	_ =	swait.ge [sflag:s4], $0x0  }
0x19: {  	s7 =	sld [smem:$0x3F9E]  }
0x1a: {  	s8 =	sadd.s32 $0xFFFFE003, lr  }
0x1b: {  	s9 =	sadd.s32 $0xFFFFFEF7, lr;
	s5 =	simm.s32 $0xFFFFFFFF;
	p2 =	slt.u32 s8, $0xFFFFF086  }
0x1c: {  	p1 =	slt.u32 s9, $0xF7A;
	s5 =	simm.s32 @!p2 $0x0  }
0x1d: {  	s5 =	simm.s32 @p1 $0x1;
	p0 =	seq.s32 s7, s2  }
0x1e: {  	s7 =	smul.u32 @!p0 $0xF7A, s2;
	p2 =	seq.s32 @!p0 s5, $0x0  }
0x1f: {  	s9 =	smul.u32 $0xF7A, s1;
	s8 =	simm.s32 @!p0 $0x1BF5;
	p2 =	por !p2, p0  }
0x20: {  	[sflag:s8] =	ssyncset.s32 @!p0 $0xFFFFF086;
	s6 =	sadd.s32 @!p0 s3, s7;
	s7 =	simm.s32 @!p0 $0x108  }
0x21: {  	s3 =	sadd.s32 s3, s9;
	s6 =	sadd.s32 @!p0 $0x88, s6;
	s7 =	simm.s32 @p2 $0x1082  }
0x22: {  	[simem:s7], [sflag:s8] =	dma.local @!p0 [hbm:s6], $0xF7A  }
0x23: {  	s9 =	sor.u32 $0xD0000000, s2;
	s6 =	simm.s32 $0x108;
	_ =	swait.ge @!p0 [sflag:s8], $0x0  }
0x24: {  	s3 =	sadd.s32 $0x88, s3;
	s6 =	simm.s32 @!p1 $0x1082;
	[sflag:s4] =	ssyncset.s32 $0xFFFFF086  }
0x25: {  	[simem:s6], [sflag:s4] =	dma.local [hbm:s3], $0xF7A  }
0x26: {  	[smem:$0x3F9E] =	sst s1;
	(tag) =	ssettag s2;
	_ =	strace s9  }
0x27: {  	s1 =	sld [smem:$0x3FAE]  }
0x28: {  	s2 =	sld [smem:$0x3FAF]  }
0x29: {  	s4 =	sld [smem:$0x3FB1]  }
0x2a: {  	p0 =	seq.s32 s5, $0x0;
	s5 =	sld [smem:$0x3FB2]  }
0x2b: {  	s6 =	sld [smem:$0x3FB3]  }
0x2c: {  	s7 =	sld [smem:$0x3FB4]  }
0x2d: {  	s3 =	simm.s32 $0x108;
	s8 =	sld [smem:$0x3FB5]  }
0x2e: {  	s3 =	simm.s32 @!p0 $0x1082;
	s9 =	sld [smem:$0x3FB6]  }
0x2f: {  	lr =	sadd.s32 s0, s3;
	s0 =	sld [smem:$0x3FAD]  }
0x30: {  	s3 =	sld [smem:$0x3FB0]  }
0x31: {  	[smem:$0x3FB9] =	sst s10  }
0x32: {  	s10 =	sld [smem:$0x3FB7];
	_ =	sdelay $0x3  }
0x33: {  	p0 =	seq.s32 s10, $0x1;
	s10 =	sld [smem:$0x3FB9];
	_ =	sdelay $0x3  }
0x34: {  	[smem:$0x3FB9] =	sst s10  }
0x35: {  	s10 =	sld [smem:$0x3FB8];
	_ =	sdelay $0x3  }
0x36: {  	p1 =	seq.s32 s10, $0x1;
	s10 =	sld [smem:$0x3FB9];
	_ =	sdelay $0x3  }
0x37: {  	[smem:$0x3FB9] =	sst s10  }
0x38: {  	s10 =	sld [smem:$0x3FBA]  }
0x39: {  	_ = 	snop;
	(pc) =	sbr.ind lr, $3  }
0x3a: {  	_ = 	snop  }
0x3b: {  	_ = 	snop  }
0x3c: {  	p2 =	seq.s32 s10, $0x1;
	s10 =	sld [smem:$0x3FB9]  }
0x3d: {  	_ =	shalt  }
0x3e: {  	_ =	shalt  }
0x3f: {  	_ =	shalt  }
0x40: {  	_ =	shalt  }
0x41: {  	_ =	shalt  }
0x42: {  	_ =	shalt  }
0x43: {  	_ =	shalt  }
0x44: {  	_ =	shalt  }
0x45: {  	_ =	shalt  }
0x46: {  	_ =	shalt  }
0x47: {  	_ =	shalt  }
0x48: {  	_ =	shalt  }
0x49: {  	_ =	shalt  }
0x4a: {  	_ =	shalt  }
0x4b: {  	_ =	shalt  }
0x4c: {  	_ =	shalt  }
0x4d: {  	_ =	shalt  }
0x4e: {  	_ =	shalt  }
0x4f: {  	_ =	shalt  }
0x50: {  	_ =	shalt  }
0x51: {  	_ =	shalt  }
0x52: {  	_ =	shalt  }
0x53: {  	_ =	shalt  }
0x54: {  	_ =	shalt  }
0x55: {  	_ =	shalt  }
0x56: {  	_ =	shalt  }
0x57: {  	_ =	shalt  }
0x58: {  	_ =	shalt  }
0x59: {  	_ =	shalt  }
0x5a: {  	_ =	shalt  }
0x5b: {  	_ =	shalt  }
0x5c: {  	_ =	shalt  }
0x5d: {  	_ =	shalt  }
0x5e: {  	_ =	shalt  }
0x5f: {  	_ =	shalt  }
0x60: {  	_ =	shalt  }
0x61: {  	_ =	shalt  }
0x62: {  	_ =	shalt  }
0x63: {  	_ =	shalt  }
0x64: {  	_ =	shalt  }
0x65: {  	_ =	shalt  }
0x66: {  	_ =	shalt  }
0x67: {  	_ =	shalt  }
0x68: {  	_ =	shalt  }
0x69: {  	_ =	shalt  }
0x6a: {  	_ =	shalt  }
0x6b: {  	_ =	shalt  }
0x6c: {  	_ =	shalt  }
0x6d: {  	_ =	shalt  }
0x6e: {  	_ =	shalt  }
0x6f: {  	_ =	shalt  }
0x70: {  	_ =	shalt  }
0x71: {  	_ =	shalt  }
0x72: {  	_ =	shalt  }
0x73: {  	_ =	shalt  }
0x74: {  	_ =	shalt  }
0x75: {  	_ =	shalt  }
0x76: {  	_ =	shalt  }
0x77: {  	_ =	shalt  }
0x78: {  	_ =	shalt  }
0x79: {  	_ =	shalt  }
0x7a: {  	_ =	shalt  }
0x7b: {  	_ =	shalt  }
0x7c: {  	_ =	shalt  }
0x7d: {  	_ =	shalt  }
0x7e: {  	_ =	shalt  }
0x7f: {  	_ =	shalt  }
0x80: {  	_ =	shalt  }
0x81: {  	_ =	shalt  }
0x82: {  	_ =	shalt  }
0x83: {  	_ =	shalt  }
0x84: {  	_ =	shalt  }
0x85: {  	_ =	shalt  }
0x86: {  	_ =	shalt  }
0x87: {  	_ =	shalt  }
.Lfunc_end0:
.L_simem_size_0:
called_computation_lowered:
.L_overlay_start_0:
0x88: {  	s2 =	sld [smem:$0x3FD9]  }
0x89: {  	s3 =	sld [smem:$0x3FFE];
	_ =	sdelay $0x1  }
0x8a: {  	s1 =	srdreg.scid  }
0x8b: {  	s0 =	sand.u32 $0x1, s1  }
0x8c: {  	s17 =	sshll.u32 s0, $0xA;
	s2 =	sadd.s32 s3, s2  }
0x8d: {  	s2 =	sadd.s32 s2, s17  }
0x8e: {  	[smem:$0x3FC5] =	sst s2  }
0x8f: {  	_ = 	snop  }
0x90: {  	s2 =	sld [smem:$0x3FD0];
	(tm) =	ssettm $0x1  }
0x91: {  	s18 =	sld [smem:$0x3FFB];
	_ =	sdelay $0x3  }
0x92: {  	_ =	strace s18  }
0x93: {  	s3 =	sld [smem:$0x3FFC];
	_ =	sdelay $0x3  }
0x94: {  	_ =	strace s3  }
0x95: {  	s3 =	sld [smem:$0x3FFD];
	_ =	sdelay $0x3  }
0x96: {  	_ =	strace s3  }
0x97: {  	_ =	strace $0x8FFFFFFF  }
0x98: {  	s19 =	sld [smem:$0x3FDB];
	_ =	sdelay $0x1  }
0x99: {  	s4 =	simm.s32 $_scs_section_size  }
0x9a: {  	s5 =	simm.s32 $_size__tile_overlayer_lowered;
	s6 =	simm.s32 $_tile_overlayer_lowered  }
0x9b: {  	s22 =	simm.s32 $0x1BFF;
	s21 =	sshll.u32 s6, $0x1;
	s3 =	sadd.s32 s4, s19  }
0x9c: {  	s7 =	simm.s32 $0x0;
	s20 =	sshll.u32 s5, $0x1;
	s5 =	sadd.s32 s21, s3  }
0x9d: {  	[timem:s7], [sflag:s22] =	dma.local [hbm:s5], s20  }
0x9e: {  	_ =	swait.ge [sflag:s22], s20  }
0x9f: {  	s4 =	ssub.s32 $0x0, s20;
	[sflag:s22] =	ssyncset.done $0x0  }
0xa0: {  	[sflag:s22] =	ssyncadd.s32 s4;
	_ =	sdelay $0x1  }
0xa1: {  	s23 =	simm.s32 $0x1B8B  }
0xa2: {  	_ =	swait.ge [sflag:s23], $0x1  }
0xa3: {  	[sflag:s23] =	ssyncset.done $0x0  }
0xa4: {  	s25 =	simm.s32 $0x1B8E;
	s24 =	sld [smem:$0x3FFE];
	[sflag:s23] =	ssyncadd.s32 $0xFFFFFFFF  }
0xa5: {  	s26 =	simm.s32 $execute0_lowered;
	[smem:$0x3FD2] =	sst s25  }
0xa6: {  	s5 =	sshll.u32 s26, $0x1;
	_ =	strace $0x80000046;
	[dreg:$0x1] =	wrdreg $0xFFFFFFFF  }
0xa7: {  	s28 =	simm.s32 $_size_execute0_lowered;
	s3 =	sadd.s32 s3, s5;
	[dreg:$0x0] =	wrdreg $0x0  }
0xa8: {  	s5 =	sshll.u32 s28, $0x1;
	[dreg:$0x2] =	wrdreg s3  }
0xa9: {  	[dreg:$0x3] =	wrdreg s5  }
0xaa: {  	[dreg:$0x4] =	wrdreg $0xC0  }
0xab: {  	_ =	task [dreg:s7], $0x5FFFF  }
0xac: {  	[dreg:$0x1] =	wrdreg $0xFFFFFFFF  }
0xad: {  	[dreg:$0x0] =	wrdreg $0x60  }
0xae: {  	[dreg:$0x2] =	wrdreg s24  }
0xaf: {  	[dreg:$0x3] =	wrdreg s2  }
0xb0: {  	[dreg:$0x4] =	wrdreg $0x9  }
0xb1: {  	_ =	task.clear_ibuf [dreg:s7], $0x5FFFF;
	_ =	strace $0x90000046  }
0xb2: {  	s29 =	simm.s32 $0x9;
	_ =	strace $0x80000048  }
0xb3: {  	_ =	swait.ge [sflag:s29], $0x1  }
0xb4: {  	[sflag:s29] =	ssyncadd.s32 $0xFFFFFFFF  }
0xb5: {  	_ =	strace $0x90000048  }
0xb6: {  	_ =	sfence  }
0xb7: {  	s30 =	sld [smem:$0x0];
	_ =	sdelay $0x2  }
0xb8: {  	s31 =	sshll.u32 s1, $0xD;
	s1 =	sshrl.u32 s1, $0x2  }
0xb9: {  	s3 =	sand.u32 $0x4000, s31;
	s1 =	sadd.s32 s1, s30  }
0xba: {  	s0 =	sor.u32 s3, s0;
	s1 =	sshll.u32 s1, $0x11  }
0xbb: {  	s0 =	sor.u32 s1, s0  }
0xbc: {  	s0 =	sadd.s32 $0x8F2B, s0  }
0xbd: {  	[sflag:s0] =	ssyncadd.remote.s32 $0x1  }
0xbe: {  	_ =	sfence.sel $0xFFFF  }
0xbf: {  	[dreg:$0x0] =	wrdreg $0xFFFFFFFF;
	(pc) =	sbr.abs _section_cstart, $3  }
0xc0: {  	[dreg:$0x1] =	wrdreg $0xFFFFFFFF  }
0xc1: {  	_ =	task.clear_ibuf [dreg:s7], $0x2FFFF;
	_ =	strace $0x9FFFFFFF  }
0xc2: {  	(tm) =	ssettm $0x7FFFFFFF  }
0xc3: {  	_ =	shalt  }
tec
execute0_lowered:
.L_overlay_start_1:
0x0: {  	(tag) =	ssettag $0x1  }
0x1: {  	s3 =	rddreg [dreg:$0x0];
	s1 =	srdreg.scid  }
0x2: {  	s0 =	stileid.u32;
	s6 =	rddreg [dreg:$0x1]  }
0x3: {  	s2 =	simm.s32 $0x0;
	s10 =	simm.s32 $0x1A0;
	s11 =	simm.s32 $0xD000  }
0x4: {  	s12 =	simm.s32 $0x13800;
	s13 =	simm.s32 $0x1;
	s14 =	simm.s32 $0x2  }
0x5: {  	s15 =	simm.s32 $0x1A000;
	s4 =	sand.u32 $0x1, s1;
	s5 =	sshll.u32 s0, $0x1  }
0x6: {  	s16 =	simm.s32 $0x0;
	s1 =	rddreg [dreg:$0x2];
	s5 =	sor.u32 s4, s5  }
0x7: {  	[smem:$0x7FF] =	sst s2;
	s4 =	ssub.s32 $0x2, s4;
	s7 =	smul.u32 $0xD00, s5  }
0x8: {  	_ =	strace $0x80000047;
	s8 =	sshrl.u32 s4, $0x1;
	s9 =	sshll.u32 s5, $0xA  }
0x9: {  	s8 =	ssub.s32 s4, s8;
	s6 =	sadd.s32 s6, s9;
	s7 =	sadd.s32 s7, s3  }
0xa: {  	s9 =	simm.s32 $0x6800;
	s3 =	sadd.s32 $0x187200, s3;
	s4 =	sadd.s32 $0x1A800, s7  }
0xb: {  	s5 =	sadd.s32 $0x800, s7;
	s7 =	smax.u32 s8, $0x1;
	s8 =	simm.s32 $0x3  }
.LBB2_1:
0xc: {  	[tilespmem:s2], [sflag:$0x3] =	stream.linear.gather [hbm4b:s4+s2], $0x6800, $0x38;
	[tilespmem:$0x1C000] =	vst v63  }
0xd: {  	_ =	swait.ge [sflag:s8], $0x6800  }
0xe: {  	[sflag:s8] =	ssyncset.done $0x0  }
0xf: {  	[sflag:s8] =	ssyncadd.s32 $0xFFFF9800  }
0x10: {  	[tilespmem:s9], [sflag:$0x3] =	stream.linear.gather [hbm4b:s5+s2], $0x6800, $0x38;
	[tilespmem:$0x1C000] =	vst v63  }
0x11: {  	_ =	swait.ge [sflag:s8], $0x6800  }
0x12: {  	[sflag:s8] =	ssyncset.done $0x0  }
0x13: {  	s17 =	simm.s32 $0x0;
	[sflag:s8] =	ssyncadd.s32 $0xFFFF9800  }
0x14: {  	s18 =	simm.s32 $0x40;
	v0 =	vld [tilespmem:s17+$0x6800]  }
.LBB2_2:
0x15: {  	p0 =	sne.s32 s18, $0x19FC0;
	v1 =	vld [tilespmem:s17+$0x0];
	_ =	sdelay $0x2  }
.Ltmp0:
0x16: {  	(pc) =	sbr.rel @p0 .LBB2_2-.Ltmp0, $4  }
0x17: {  	_ = 	snop  }
0x18: {  	v1 =	vmul.u32 v1, v0  }
0x19: {  	s19 =	sshra.s32 s18, $0x2  }
0x1a: {  	s18 =	sadd.s32 $0x40, s18;
	v0 =	vld [tilespmem:s19+$0x6800];
	[tilespmem:s17+$0x0] =	vst v1;
	s17 =	smov.u32 s19  }
0x1b: {  	v1 =	vld [tilespmem:s17+$0x0];
	_ =	sdelay $0x4  }
0x1c: {  	v0 =	vmul.u32 v1, v0;
	_ =	sdelay $0x1  }
0x1d: {  	[tilespmem:s17+$0x0] =	vst v0;
	s17 =	simm.s32 $0x0  }
0x1e: {  	[tilespmem:s11], [sflag:$0x1] =	stream.indirect.gather [hbm4b:s3+s10], $0x40, s17, s10, $0xb8;
	[tilespmem:$0x1C000] =	vst v63  }
0x1f: {  	_ = 	snop  }
0x20: {  	[tilespmem:s12], [sflag:$0x2] =	stream.indirect.gather [hbm4b:s3+s10], $0x40, s10, s10, $0xb8;
	[tilespmem:$0x1C000] =	vst v63  }
.LBB2_4:
0x21: {  	p0 =	sne.s32 s17, $0x1F  }
0x22: {  	s18 =	smul.u32 @p0 $0xD00, s17  }
0x23: {  	_ =	swait.ge [sflag:s13], $0x6800;
	s31 =	simm.s32 $0x0  }
0x24: {  	[sflag:s13] =	ssyncset.done $0x0;
	s19 =	simm.s32 @p0 $0x1A0;
	s18 =	sshra.s32 @p0 s18, $0x2  }
0x25: {  	s20 =	simm.s32 @p0 $0xD000;
	[sflag:s13] =	ssyncadd.s32 $0xFFFF9800;
	s18 =	sadd.s32 @p0 $0x340, s18  }
0x26: {  	[tilespmem:s20], [sflag:$0x1] =	stream.indirect.gather @p0 [hbm4b:s3+s19], $0x40, s18, s19, $0xb8;
	[tilespmem:$0x1C000] =	vst v63  }
0x27: {  	v1 =	vld [tilespmem:s31+$0xD030]  }
0x28: {  	v2 =	vld [tilespmem:s31+$0xD000]  }
0x29: {  	v0 =	vimm.f32 $0.0e+00;
	v4 =	vld [tilespmem:s31+$0xD010]  }
0x2a: {  	v3 =	vimm.f32 $0.0e+00;
	v6 =	vimm.f32 $0.0e+00;
	v7 =	vimm.f32 $0.0e+00;
	s18 =	sshll.u32 s17, $0x1;
	s19 =	simm.s32 $0x100;
	v5 =	vld [tilespmem:s31+$0xD020]  }
.LBB2_5:
0x2b: {  	p1 =	seq.s32 s19, $0xCF00  }
.Ltmp1:
0x2c: {  	s20 =	sshra.s32 s19, $0x2;
	s19 =	sadd.s32 $0x100, s19;
	v0 =	vadd.f32 v1, v0;
	(pc) =	sbr.rel @!p1 .LBB2_5-.Ltmp1, $4  }
0x2d: {  	v1 =	vld [tilespmem:s20+$0xD030];
	v3 =	vadd.f32 v2, v3  }
0x2e: {  	v2 =	vld [tilespmem:s20+$0xD000];
	v6 =	vadd.f32 v4, v6  }
0x2f: {  	v4 =	vld [tilespmem:s20+$0xD010];
	v7 =	vadd.f32 v5, v7  }
0x30: {  	v5 =	vld [tilespmem:s20+$0xD020]  }
0x31: {  	s19 =	smul.u32 $0xD00, s17;
	_ =	sdelay $0x1  }
0x32: {  	s20 =	sshra.s32 s19, $0x2  }
0x33: {  	v3 =	vadd.f32 v2, v3;
	v2 =	vadd.f32 v4, v6;
	v4 =	vld [tilespmem:s20+$0x6800]  }
0x34: {  	v0 =	vadd.f32 v1, v0;
	v1 =	vadd.f32 v5, v7;
	v5 =	vld [tilespmem:s20+$0x6810]  }
0x35: {  	v6 =	vld [tilespmem:s20+$0x6820]  }
0x36: {  	v7 =	vld [tilespmem:s20+$0x6830]  }
0x37: {  	v8 =	vld [tilespmem:s20+$0x6840]  }
0x38: {  	v9 =	vld [tilespmem:s20+$0x6850]  }
0x39: {  	v4 =	vadd.s32 v4, v5;
	v5 =	vld [tilespmem:s20+$0x6860]  }
0x3a: {  	v4 =	vadd.s32 v4, v6;
	v6 =	vld [tilespmem:s20+$0x6870]  }
0x3b: {  	v4 =	vadd.s32 v4, v7;
	v7 =	vld [tilespmem:s20+$0x6880]  }
0x3c: {  	v4 =	vadd.s32 v4, v8;
	v8 =	vld [tilespmem:s20+$0x6890]  }
0x3d: {  	v63 =	vld [tilespmem:s20+$0x68A0];
	v4 =	vadd.s32 v4, v9  }
0x3e: {  	v4 =	vadd.s32 v4, v5;
	v5 =	vld [tilespmem:s20+$0x68B0]  }
0x3f: {  	v4 =	vadd.s32 v4, v6;
	v6 =	vld [tilespmem:s20+$0x68C0]  }
0x40: {  	v4 =	vadd.s32 v4, v7  }
0x41: {  	v4 =	vadd.s32 v4, v8  }
0x42: {  	v4 =	vadd.s32 v4, v63  }
0x43: {  	v4 =	vadd.s32 v4, v5  }
0x44: {  	v4 =	vadd.s32 v4, v6  }
0x45: {  	(xrf0) =	vadd.scan.msk.s32 $0xffff, v4;
	_ =	sdelay $0x5  }
0x46: {  	v4, _, _ =	vpop (xrf0)  }
0x47: {  	(v2sf) =	vpush v4, $0xF;
	_ =	sdelay $0xe  }
0x48: {  	s30 =	spop (v2sf)  }
0x49: {  	s20 =	scvt.s32.f32 s30;
	_ =	sdelay $0x1  }
0x4a: {  	v4 =	vmov s20  }
0x4b: {  	v4 =	vmax.f32 v4, $9.999999710e-10  }
0x4c: {  	v4 =	vbroadcast v4, $0x0;
	_ =	sdelay $0x1  }
0x4d: {  	(erf) = vrcp.f32 v4;
	_ =	sdelay $0x8  }
0x4e: {  	v4 =	vpop (erf)  }
0x4f: {  	s31 =	sshll.u32 s17, $0x8;
	v3 =	vmul.f32 v4, v3  }
0x50: {  	s20 =	sand.u32 $0x3FFFFF00, s31;
	v2 =	vmul.f32 v4, v2  }
0x51: {  	v1 =	vmul.f32 v4, v1;
	[tilespmem:s20+$0x1A000] =	vst v3  }
0x52: {  	v0 =	vmul.f32 v4, v0;
	[tilespmem:s20+$0x1A010] =	vst v2  }
0x53: {  	[tilespmem:s20+$0x1A020] =	vst v1  }
0x54: {  	s21 =	simm.s32 $0x0;
	[tilespmem:s20+$0x1A030] =	vst v0  }
0x55: {  	v1 =	vld [tilespmem:s21+$0x10430]  }
0x56: {  	v2 =	vld [tilespmem:s21+$0x10400]  }
0x57: {  	v7 =	vimm.f32 $0.0e+00;
	v4 =	vld [tilespmem:s21+$0x10410]  }
0x58: {  	v6 =	vimm.f32 $0.0e+00;
	v0 =	vimm.f32 $0.0e+00;
	s20 =	simm.s32 $0x100;
	v3 =	vimm.f32 $0.0e+00;
	v5 =	vld [tilespmem:s21+$0x10420]  }
.LBB2_7:
0x59: {  	p1 =	seq.s32 s20, $0xCF00  }
.Ltmp2:
0x5a: {  	s21 =	sshra.s32 s20, $0x2;
	s20 =	sadd.s32 $0x100, s20;
	v0 =	vadd.f32 v1, v0;
	(pc) =	sbr.rel @!p1 .LBB2_7-.Ltmp2, $4  }
0x5b: {  	v1 =	vld [tilespmem:s21+$0x10430];
	v3 =	vadd.f32 v2, v3  }
0x5c: {  	v2 =	vld [tilespmem:s21+$0x10400];
	v6 =	vadd.f32 v4, v6  }
0x5d: {  	v4 =	vld [tilespmem:s21+$0x10410];
	v7 =	vadd.f32 v5, v7  }
0x5e: {  	v5 =	vld [tilespmem:s21+$0x10420]  }
0x5f: {  	s20 =	sshll.u32 s17, $0x2  }
0x60: {  	s20 =	sor.u32 $0x1, s20  }
0x61: {  	s21 =	smul.u32 $0x340, s20;
	_ =	sdelay $0x1  }
0x62: {  	s21 =	sshra.s32 s21, $0x2  }
0x63: {  	v3 =	vadd.f32 v2, v3;
	v2 =	vadd.f32 v4, v6;
	v4 =	vld [tilespmem:s21+$0x6800]  }
0x64: {  	v0 =	vadd.f32 v1, v0;
	v1 =	vadd.f32 v5, v7;
	v5 =	vld [tilespmem:s21+$0x6810]  }
0x65: {  	v6 =	vld [tilespmem:s21+$0x6820]  }
0x66: {  	v7 =	vld [tilespmem:s21+$0x6830]  }
0x67: {  	v8 =	vld [tilespmem:s21+$0x6840]  }
0x68: {  	v9 =	vld [tilespmem:s21+$0x6850]  }
0x69: {  	v4 =	vadd.s32 v4, v5;
	v5 =	vld [tilespmem:s21+$0x6860]  }
0x6a: {  	v4 =	vadd.s32 v4, v6;
	v6 =	vld [tilespmem:s21+$0x6870]  }
0x6b: {  	v4 =	vadd.s32 v4, v7;
	v7 =	vld [tilespmem:s21+$0x6880]  }
0x6c: {  	v4 =	vadd.s32 v4, v8;
	v8 =	vld [tilespmem:s21+$0x6890]  }
0x6d: {  	v63 =	vld [tilespmem:s21+$0x68A0];
	v4 =	vadd.s32 v4, v9  }
0x6e: {  	v4 =	vadd.s32 v4, v5;
	v5 =	vld [tilespmem:s21+$0x68B0]  }
0x6f: {  	v4 =	vadd.s32 v4, v6;
	v6 =	vld [tilespmem:s21+$0x68C0]  }
0x70: {  	v4 =	vadd.s32 v4, v7  }
0x71: {  	v4 =	vadd.s32 v4, v8  }
0x72: {  	v4 =	vadd.s32 v4, v63  }
0x73: {  	v4 =	vadd.s32 v4, v5  }
0x74: {  	v4 =	vadd.s32 v4, v6  }
0x75: {  	(xrf0) =	vadd.scan.msk.s32 $0xffff, v4;
	_ =	sdelay $0x5  }
0x76: {  	v4, _, _ =	vpop (xrf0)  }
0x77: {  	(v2sf) =	vpush v4, $0xF;
	_ =	sdelay $0xe  }
0x78: {  	s30 =	spop (v2sf)  }
0x79: {  	s21 =	scvt.s32.f32 s30;
	_ =	sdelay $0x1  }
0x7a: {  	v4 =	vmov s21  }
0x7b: {  	v4 =	vmax.f32 v4, $9.999999710e-10  }
0x7c: {  	v4 =	vbroadcast v4, $0x0;
	_ =	sdelay $0x1  }
0x7d: {  	(erf) = vrcp.f32 v4;
	_ =	sdelay $0x8  }
0x7e: {  	v4 =	vpop (erf)  }
0x7f: {  	s20 =	sshll.u32 s20, $0x6;
	v3 =	vmul.f32 v4, v3  }
0x80: {  	s20 =	sand.u32 $0x3FFFFF40, s20;
	v2 =	vmul.f32 v4, v2  }
0x81: {  	v1 =	vmul.f32 v4, v1;
	[tilespmem:s20+$0x1A000] =	vst v3  }
0x82: {  	v0 =	vmul.f32 v4, v0;
	[tilespmem:s20+$0x1A010] =	vst v2  }
0x83: {  	[tilespmem:s20+$0x1A020] =	vst v1  }
0x84: {  	[tilespmem:s20+$0x1A030] =	vst v0  }
0x85: {  	s19 =	sshra.s32 @p0 s19, $0x2;
	_ =	swait.ge [sflag:s14], $0x6800  }
0x86: {  	s31 =	simm.s32 $0x0;
	s19 =	sadd.s32 @p0 $0x4E0, s19;
	[sflag:s14] =	ssyncset.done $0x0  }
0x87: {  	s21 =	simm.s32 @p0 $0x13800;
	s20 =	simm.s32 @p0 $0x1A0;
	[sflag:s14] =	ssyncadd.s32 $0xFFFF9800  }
0x88: {  	[tilespmem:s21], [sflag:$0x2] =	stream.indirect.gather @p0 [hbm4b:s3+s20], $0x40, s19, s20, $0xb8;
	[tilespmem:$0x1C000] =	vst v63  }
0x89: {  	v1 =	vld [tilespmem:s31+$0x13830]  }
0x8a: {  	v2 =	vld [tilespmem:s31+$0x13800]  }
0x8b: {  	v7 =	vimm.f32 $0.0e+00;
	v4 =	vld [tilespmem:s31+$0x13810]  }
0x8c: {  	s18 =	sor.u32 $0x1, s18;
	v6 =	vimm.f32 $0.0e+00;
	v0 =	vimm.f32 $0.0e+00;
	v3 =	vimm.f32 $0.0e+00;
	s19 =	simm.s32 $0x100;
	v5 =	vld [tilespmem:s31+$0x13820]  }
.LBB2_9:
0x8d: {  	p0 =	seq.s32 s19, $0xCF00  }
.Ltmp3:
0x8e: {  	s20 =	sshra.s32 s19, $0x2;
	s19 =	sadd.s32 $0x100, s19;
	v0 =	vadd.f32 v1, v0;
	(pc) =	sbr.rel @!p0 .LBB2_9-.Ltmp3, $4  }
0x8f: {  	v1 =	vld [tilespmem:s20+$0x13830];
	v3 =	vadd.f32 v2, v3  }
0x90: {  	v2 =	vld [tilespmem:s20+$0x13800];
	v6 =	vadd.f32 v4, v6  }
0x91: {  	v4 =	vld [tilespmem:s20+$0x13810];
	v7 =	vadd.f32 v5, v7  }
0x92: {  	v5 =	vld [tilespmem:s20+$0x13820]  }
0x93: {  	s19 =	smul.u32 $0x680, s18;
	_ =	sdelay $0x1  }
0x94: {  	s19 =	sshra.s32 s19, $0x2  }
0x95: {  	v3 =	vadd.f32 v2, v3;
	v2 =	vadd.f32 v4, v6;
	v4 =	vld [tilespmem:s19+$0x6800]  }
0x96: {  	v0 =	vadd.f32 v1, v0;
	v1 =	vadd.f32 v5, v7;
	v5 =	vld [tilespmem:s19+$0x6810]  }
0x97: {  	v6 =	vld [tilespmem:s19+$0x6820]  }
0x98: {  	v7 =	vld [tilespmem:s19+$0x6830]  }
0x99: {  	v8 =	vld [tilespmem:s19+$0x6840]  }
0x9a: {  	v9 =	vld [tilespmem:s19+$0x6850]  }
0x9b: {  	v4 =	vadd.s32 v4, v5;
	v5 =	vld [tilespmem:s19+$0x6860]  }
0x9c: {  	v4 =	vadd.s32 v4, v6;
	v6 =	vld [tilespmem:s19+$0x6870]  }
0x9d: {  	v4 =	vadd.s32 v4, v7;
	v7 =	vld [tilespmem:s19+$0x6880]  }
0x9e: {  	v4 =	vadd.s32 v4, v8;
	v8 =	vld [tilespmem:s19+$0x6890]  }
0x9f: {  	v63 =	vld [tilespmem:s19+$0x68A0];
	v4 =	vadd.s32 v4, v9  }
0xa0: {  	v4 =	vadd.s32 v4, v5;
	v5 =	vld [tilespmem:s19+$0x68B0]  }
0xa1: {  	v4 =	vadd.s32 v4, v6;
	v6 =	vld [tilespmem:s19+$0x68C0]  }
0xa2: {  	v4 =	vadd.s32 v4, v7  }
0xa3: {  	v4 =	vadd.s32 v4, v8  }
0xa4: {  	v4 =	vadd.s32 v4, v63  }
0xa5: {  	v4 =	vadd.s32 v4, v5  }
0xa6: {  	v4 =	vadd.s32 v4, v6  }
0xa7: {  	(xrf0) =	vadd.scan.msk.s32 $0xffff, v4;
	_ =	sdelay $0x5  }
0xa8: {  	v4, _, _ =	vpop (xrf0)  }
0xa9: {  	(v2sf) =	vpush v4, $0xF;
	_ =	sdelay $0xe  }
0xaa: {  	s30 =	spop (v2sf)  }
0xab: {  	s19 =	scvt.s32.f32 s30;
	_ =	sdelay $0x1  }
0xac: {  	v4 =	vmov s19  }
0xad: {  	v4 =	vmax.f32 v4, $9.999999710e-10  }
0xae: {  	v4 =	vbroadcast v4, $0x0;
	_ =	sdelay $0x1  }
0xaf: {  	(erf) = vrcp.f32 v4;
	_ =	sdelay $0x8  }
0xb0: {  	v4 =	vpop (erf)  }
0xb1: {  	s31 =	sshll.u32 s18, $0x7;
	v3 =	vmul.f32 v4, v3  }
0xb2: {  	s19 =	sand.u32 $0x3FFFFF80, s31;
	v2 =	vmul.f32 v4, v2  }
0xb3: {  	v1 =	vmul.f32 v4, v1;
	[tilespmem:s19+$0x1A000] =	vst v3  }
0xb4: {  	v0 =	vmul.f32 v4, v0;
	[tilespmem:s19+$0x1A010] =	vst v2  }
0xb5: {  	[tilespmem:s19+$0x1A020] =	vst v1  }
0xb6: {  	s20 =	simm.s32 $0x0;
	[tilespmem:s19+$0x1A030] =	vst v0  }
0xb7: {  	v1 =	vld [tilespmem:s20+$0x16C30]  }
0xb8: {  	v2 =	vld [tilespmem:s20+$0x16C00]  }
0xb9: {  	v7 =	vimm.f32 $0.0e+00;
	v4 =	vld [tilespmem:s20+$0x16C10]  }
0xba: {  	v6 =	vimm.f32 $0.0e+00;
	v0 =	vimm.f32 $0.0e+00;
	s19 =	simm.s32 $0x100;
	v3 =	vimm.f32 $0.0e+00;
	v5 =	vld [tilespmem:s20+$0x16C20]  }
.LBB2_11:
0xbb: {  	p0 =	seq.s32 s19, $0xCF00  }
.Ltmp4:
0xbc: {  	s20 =	sshra.s32 s19, $0x2;
	s19 =	sadd.s32 $0x100, s19;
	v0 =	vadd.f32 v1, v0;
	(pc) =	sbr.rel @!p0 .LBB2_11-.Ltmp4, $4  }
0xbd: {  	v1 =	vld [tilespmem:s20+$0x16C30];
	v3 =	vadd.f32 v2, v3  }
0xbe: {  	v2 =	vld [tilespmem:s20+$0x16C00];
	v6 =	vadd.f32 v4, v6  }
0xbf: {  	v4 =	vld [tilespmem:s20+$0x16C10];
	v7 =	vadd.f32 v5, v7  }
0xc0: {  	v5 =	vld [tilespmem:s20+$0x16C20]  }
0xc1: {  	s18 =	sshllo.u32 s18, $0x1  }
0xc2: {  	s19 =	smul.u32 $0x340, s18;
	_ =	sdelay $0x1  }
0xc3: {  	s19 =	sshra.s32 s19, $0x2  }
0xc4: {  	v52 =	vld [tilespmem:s19+$0x6800]  }
0xc5: {  	v53 =	vld [tilespmem:s19+$0x6810]  }
0xc6: {  	v54 =	vld [tilespmem:s19+$0x6820]  }
0xc7: {  	v55 =	vld [tilespmem:s19+$0x6830]  }
0xc8: {  	v8 =	vld [tilespmem:s19+$0x6840]  }
0xc9: {  	v9 =	vld [tilespmem:s19+$0x6850]  }
0xca: {  	v50 =	vadd.f32 v4, v6;
	v56 =	vld [tilespmem:s19+$0x6860];
	v4 =	vadd.s32 v52, v53  }
0xcb: {  	v57 =	vld [tilespmem:s19+$0x6870];
	v4 =	vadd.s32 v4, v54  }
0xcc: {  	v58 =	vld [tilespmem:s19+$0x6880];
	v4 =	vadd.s32 v4, v55  }
0xcd: {  	v59 =	vld [tilespmem:s19+$0x6890];
	v4 =	vadd.s32 v4, v8  }
0xce: {  	v60 =	vld [tilespmem:s19+$0x68A0];
	v4 =	vadd.s32 v4, v9  }
0xcf: {  	v61 =	vld [tilespmem:s19+$0x68B0];
	v4 =	vadd.s32 v4, v56  }
0xd0: {  	v62 =	vld [tilespmem:s19+$0x68C0];
	v4 =	vadd.s32 v4, v57  }
0xd1: {  	v4 =	vadd.s32 v4, v58  }
0xd2: {  	v4 =	vadd.s32 v4, v59  }
0xd3: {  	v4 =	vadd.s32 v4, v60  }
0xd4: {  	v4 =	vadd.s32 v4, v61  }
0xd5: {  	v4 =	vadd.s32 v4, v62  }
0xd6: {  	(xrf0) =	vadd.scan.msk.s32 $0xffff, v4;
	_ =	sdelay $0x5  }
0xd7: {  	v4, _, _ =	vpop (xrf0)  }
0xd8: {  	(v2sf) =	vpush v4, $0xF;
	_ =	sdelay $0xe  }
0xd9: {  	s31 =	spop (v2sf)  }
0xda: {  	s19 =	scvt.s32.f32 s31;
	_ =	sdelay $0x1  }
0xdb: {  	v63 =	vmov s19  }
0xdc: {  	v4 =	vmax.f32 v63, $9.999999710e-10  }
0xdd: {  	v4 =	vbroadcast v4, $0x0;
	_ =	sdelay $0x1  }
0xde: {  	(erf) = vrcp.f32 v4;
	_ =	sdelay $0x7  }
0xdf: {  	v3 =	vadd.f32 v2, v3  }
0xe0: {  	s17 =	sadd.s32 $0x1, s17;
	v4 =	vpop (erf)  }
0xe1: {  	s18 =	sshll.u32 s18, $0x6;
	p0 =	seq.s32 s17, $0x20;
	v51 =	vadd.f32 v5, v7;
	v3 =	vmul.f32 v4, v3  }
.Ltmp5:
0xe2: {  	v0 =	vadd.f32 v1, v0;
	s18 =	sand.u32 $0x3FFFFFC0, s18;
	v2 =	vmul.f32 v4, v50;
	(pc) =	sbr.rel @!p0 .LBB2_4-.Ltmp5, $4  }
0xe3: {  	v1 =	vmul.f32 v4, v51;
	[tilespmem:s18+$0x1A000] =	vst v3  }
0xe4: {  	v0 =	vmul.f32 v4, v0;
	[tilespmem:s18+$0x1A010] =	vst v2  }
0xe5: {  	[tilespmem:s18+$0x1A020] =	vst v1  }
0xe6: {  	[tilespmem:s18+$0x1A030] =	vst v0  }
0xe7: {  	s16 =	sadd.s32 $0x1, s16  }
0xe8: {  	p0 =	sne.s32 s16, s7  }
.Ltmp6:
0xe9: {  	_ = 	snop;
	(pc) =	sbr.rel @p0 .LBB2_1-.Ltmp6, $4  }
0xea: {  	[hbm4b:s6+s2] =	stream.linear.scatter [tilespmem:s15], [sflag:$0x3], $0x2000, $0x38;
	[tilespmem:$0x1C000] =	vst v63  }
0xeb: {  	_ =	swait.ge [sflag:s8], $0x2000  }
0xec: {  	[sflag:s8] =	ssyncset.done $0x0  }
0xed: {  	[sflag:s8] =	ssyncadd.s32 $0xFFFFE000  }
0xee: {  	_ =	sfence.sel $0x180000  }
0xef: {  	[bflag:$0x0] =	sbarrier.arrive $0xFFFF  }
0xf0: {  	p0 =	sne.s32 s0, $0x0;
	_ =	strace $0x90000047  }
0xf1: {  	s0 =	sadd.s32 @!p0 $0x100000, s1;
	[bflag:$0x2] =	sbarrier.arrive $0xFFFF  }
0xf2: {  	[sflag:s0] =	ssyncadd.tile.s32 @!p0 $0x1;
	_ =	shalt  }
.Lfunc_end2:
_tile_overlayer_lowered:
.L_overlay_start_2:
0xf3: {  	(tag) =	ssettag $0x2  }
0xf4: {  	s0 =	rddreg [dreg:$0x0];
	s2 =	stileid.u32  }
0xf5: {  	s1 =	rddreg [dreg:$0x1];
	p0 =	sne.s32 s2, $0x0  }
0xf6: {  	s3 =	rddreg [dreg:$0x2];
	[bflag:$0x3] =	sbarrier.arrive $0xFFFF;
	s2 =	simm.s32 @!p0 $0x1C03  }
0xf7: {  	[timem:s3], [sflag:s2] =	dma.local @!p0 [hbm:s0], s1  }
0xf8: {  	s0 =	simm.s32 @!p0 $0x3  }
0xf9: {  	_ =	swait.ge @!p0 [sflag:s0], s1  }
0xfa: {  	s1 =	ssub.s32 @!p0 $0x0, s1;
	[sflag:s0] =	ssyncset.done @!p0 $0x0  }
0xfb: {  	[sflag:s0] =	ssyncadd.s32 @!p0 s1  }
0xfc: {  	[bflag:$0x3] =	sbarrier.arrive $0xFFFF  }
0xfd: {  	_ =	shalt  }

</sc_bundles>
